<compile_context>
chip_gen: v7x
topology: tpu7x:2x2x1
jax: 0.10.2.dev20260603
libtpu: 0.0.44.dev20260713+nightly
codegen_flags: <defaults>
</compile_context>

<pallas_src>
import functools

import jax
import jax.numpy as jnp
from jax import lax
from jax.experimental import pallas as pl
from jax.experimental.pallas import tpu as pltpu
from jax.experimental.pallas import tpu_sc as plsc

_FFT = 16384
_SPEC_TYPE = 2
_FREQ_SCALE = 2000000.0 / (2.0 * _FFT)
_NPEAKS = 10
_NN = 5
_NTRAIN = 1000000
_NCLS = 21
_DIM = 20

_B = 65536
_NB = 16
_NTOT = _NB * _B
_NC = 2
_NS = 16
_NW = _NC * _NS
_RPW = _NTOT // _NW
_GROUPS = _RPW // 16
_G8 = _GROUPS // 8


def _feat_body(spec_ref, bg_ref, out_ref):
    spec = spec_ref[...]
    bg = jnp.mean(bg_ref[...], axis=0, keepdims=True)
    cl = spec - bg
    pos_iota = lax.broadcasted_iota(jnp.int32, (1, _FFT), 1)
    lane128 = lax.broadcasted_iota(jnp.int32, (1, 128), 1)
    big = jnp.int32(1 << 30)
    feat = jnp.zeros((1, 128), jnp.float32)
    for i in range(_NPEAKS):
        m = jnp.max(cl)
        pos = jnp.min(jnp.where(cl == m, pos_iota, big))
        feat = jnp.where(lane128 == i, m, feat)
        feat = jnp.where(lane128 == (i + _NPEAKS),
                         pos.astype(jnp.float32) * _FREQ_SCALE, feat)
        cl = jnp.where(pos_iota == pos, -jnp.inf, cl)
    out_ref[...] = feat


def _dist_body(featc_ref, xtt_ref, out_ref):
    x = xtt_ref[...]
    f = featc_ref[...]
    diff = x - f
    sq = diff * diff
    b = sq[0:8] + sq[8:16]
    t2 = jnp.concatenate(
        [sq[16:20], jnp.zeros((4, _B), jnp.float32)], axis=0)
    c = b + t2
    d1 = c[0:4] + c[4:8]
    d2 = d1[0:2] + d1[2:4]
    d3 = d2[0:1] + d2[1:2]
    dist = jnp.sqrt(d3)
    i = pl.program_id(0)
    glob = i * _B + lax.broadcasted_iota(jnp.int32, (1, _B), 1)
    dist = jnp.where(glob < _NTRAIN, dist, jnp.inf)
    out_ref[...] = dist.reshape(_B)


def _topk_body(d_ref, outd_ref, outi_ref, buf, odv, oiv):
    wid = lax.axis_index("s") * _NC + lax.axis_index("c")
    base = wid * _RPW
    pltpu.sync_copy(d_ref.at[pl.ds(pl.multiple_of(base, 8), _RPW)], buf)
    iota16 = lax.iota(jnp.int32, 16)
    inf16 = jnp.full((16,), jnp.inf, jnp.float32)

    def merge_group(carry, v, gidx):
        hit = jnp.any(v < carry[2])

        def slow(args):
            sbd, sbi, _ = args
            nd, ni = plsc.sort_key_val(v, gidx)
            ndr = lax.rev(nd, (0,))
            nir = lax.rev(ni, (0,))
            take_a = (sbd < ndr) | ((sbd == ndr) & (sbi < nir))
            md = jnp.where(take_a, sbd, ndr)
            mi = jnp.where(take_a, sbi, nir)
            bd2, bi2 = plsc.sort_key_val(md, mi)
            thv2 = jnp.full((16,), bd2[_NN - 1])
            return bd2, bi2, thv2

        return lax.cond(hit, slow, lambda a: a, carry)

    def group8_body(g8, carry):
        thv = carry[2]
        vs = [buf[pl.ds((g8 * 8 + j) * 16, 16)] for j in range(8)]
        h = vs[0] < thv
        for j in range(1, 8):
            h = h | (vs[j] < thv)
        hit = jnp.any(h)

        def slow(args):
            c = args
            for j in range(8):
                c = merge_group(c, vs[j], base + (g8 * 8 + j) * 16 + iota16)
            return c

        return lax.cond(hit, slow, lambda a: a, carry)

    init = (inf16, jnp.zeros((16,), jnp.int32), inf16)
    bd, bi, _ = lax.fori_loop(0, _G8, group8_body, init)
    odv[...] = bd
    oiv[...] = bi
    pltpu.sync_copy(odv, outd_ref.at[wid])
    pltpu.sync_copy(oiv, outi_ref.at[wid])


_topk_call = functools.partial(
    pl.kernel,
    mesh=plsc.VectorSubcoreMesh(core_axis_name="c", subcore_axis_name="s"),
    out_type=[jax.ShapeDtypeStruct((_NW, 16), jnp.float32),
              jax.ShapeDtypeStruct((_NW, 16), jnp.int32)],
    scratch_types=[pltpu.VMEM((_RPW,), jnp.float32),
                   pltpu.VMEM((16,), jnp.float32),
                   pltpu.VMEM((16,), jnp.int32)],
    compiler_params=pltpu.CompilerParams(needs_layout_passes=False),
)(_topk_body)


def _merge_body(cd_ref, ci_ref, idx_ref, d0_ref):
    cd = cd_ref[...]
    ci = ci_ref[...]
    cif = ci.astype(jnp.float32)
    big = jnp.int32(1 << 30)
    biginf = jnp.float32(3.0e38)
    lane16 = lax.broadcasted_iota(jnp.int32, (1, 16), 1)
    idxv = jnp.zeros((1, 16), jnp.int32)
    d0 = jnp.float32(0.0)
    for k in range(_NN):
        m = jnp.min(cd)
        if k == 0:
            d0 = m
        idx = jnp.min(jnp.where(cd == m, ci, big))
        idxf = idx.astype(jnp.float32)
        pmask = (cd == m) & (cif == idxf)
        idxv = jnp.where(lane16 == k, idx, idxv)
        cd = jnp.where(pmask, biginf, cd)
    idx_ref[...] = idxv
    d0_ref[...] = jnp.full((1, 16), d0, jnp.float32)


def _vote_body(rows_ref, apl_ref, sv_ref, ap_ref, d0_ref, out_ref):
    votes = jnp.sum(rows_ref[...], axis=0, keepdims=True)
    lane21 = lax.broadcasted_iota(jnp.int32, (1, _NCLS), 1)
    big = jnp.int32(1 << 30)
    vm = jnp.max(votes)
    cls = jnp.min(jnp.where(votes == vm, lane21, big))
    d0 = d0_ref[...][0, 0]
    cls = jnp.where(d0 > 10.0, jnp.int32(2 * _NPEAKS), cls)

    lane16 = lax.broadcasted_iota(jnp.int32, (1, 16), 1)
    sv = sv_ref[...]
    apl = apl_ref[...]
    ap = ap_ref[0, 0]
    is_on = cls < _NPEAKS
    is_off = (cls >= _NPEAKS) & (cls < 2 * _NPEAKS)
    idx_on = jnp.clip(cls, 0, _NPEAKS - 1)
    idx_off = jnp.clip(cls - _NPEAKS, 0, _NPEAKS - 1)
    ap_on = jnp.sum(jnp.where(lane16 == idx_on, apl, 0.0))
    sv_on = jnp.where(lane16 == idx_on, ap_on, sv)
    sv_off = jnp.where(lane16 == idx_off, 0.0, sv)
    nsv = jnp.where(is_on, sv_on, jnp.where(is_off, sv_off, sv))
    known = jnp.sum(jnp.where(lane16 < _NPEAKS, nsv, 0.0))
    nsv = jnp.where(lane16 == _NPEAKS, ap - known, nsv)
    out_ref[...] = nsv


def kernel(X, X_train, y_train, background_vector, apparent_power_list,
           current_state_vector):
    spec = X[_SPEC_TYPE * _FFT:(_SPEC_TYPE + 1) * _FFT].reshape(1, _FFT)
    ap = X[-2:-1]

    feat128 = pl.pallas_call(
        _feat_body,
        out_shape=jax.ShapeDtypeStruct((1, 128), jnp.float32),
    )(spec, background_vector)
    featc = feat128[0, :_DIM].reshape(_DIM, 1)

    xtt = X_train.T

    dists = pl.pallas_call(
        _dist_body,
        grid=(_NB,),
        in_specs=[pl.BlockSpec((_DIM, 1), lambda i: (0, 0)),
                  pl.BlockSpec((_DIM, _B), lambda i: (0, i))],
        out_specs=pl.BlockSpec((_B,), lambda i: (i,)),
        out_shape=jax.ShapeDtypeStruct((_NTOT,), jnp.float32),
    )(featc, xtt)

    cand_d, cand_i = _topk_call(dists)

    idx16, d016 = pl.pallas_call(
        _merge_body,
        out_shape=[jax.ShapeDtypeStruct((1, 16), jnp.int32),
                   jax.ShapeDtypeStruct((1, 16), jnp.float32)],
    )(cand_d, cand_i)

    rows5 = jnp.take(y_train, idx16[0, :_NN], axis=0)

    apl16 = jnp.pad(apparent_power_list, (0, 6)).reshape(1, 16)
    sv16 = jnp.pad(current_state_vector, (0, 5)).reshape(1, 16)

    out16 = pl.pallas_call(
        _vote_body,
        out_shape=jax.ShapeDtypeStruct((1, 16), jnp.float32),
        in_specs=[pl.BlockSpec(memory_space=pltpu.VMEM),
                  pl.BlockSpec(memory_space=pltpu.VMEM),
                  pl.BlockSpec(memory_space=pltpu.VMEM),
                  pl.BlockSpec(memory_space=pltpu.SMEM),
                  pl.BlockSpec(memory_space=pltpu.VMEM)],
        out_specs=pl.BlockSpec(memory_space=pltpu.VMEM),
    )(rows5, apl16, sv16, ap.reshape(1, 1), d016)

    return out16[0, :11]

# --- scband reference (transcript-rebuilt; emitter-appended) ---
"""Pipeline reference for scband-tfgupta-classifier-84799834292563 (READ-ONLY COPY).

The authoritative reference and input builder live on the scoring server;
editing this copy changes nothing except your own understanding.
"""

import jax, jax.numpy as jnp
import numpy as np

FFT_SIZE_REAL = 16384
SPECTRUM_TYPE = 2
SAMPLE_RATE = 2000000.0
N_KNOWN = 10
N_PEAKS_MAX = 10
N_NEIGHBORS = 5
BACKGROUND_N = 25
N_TRAIN = 1000000
DIST_THRESHOLD = 10.0
OTHER_CLASS = 2 * N_KNOWN


def setup_inputs(seed: int = 0):
    key = jax.random.key(seed)
    k1, k2, k3, k4, k5 = jax.random.split(key, 5)
    # One data point: [voltage_spec | current_spec | apparent_power_spec | apparent_power | phase]
    X = jax.random.normal(k1, (3 * FFT_SIZE_REAL + 2,), dtype=jnp.float32)
    # Fitted KNN classifier state (from clf.fit): peak features (n_peaks_max amps + n_peaks_max freqs)
    X_train = jax.random.normal(k2, (N_TRAIN, 2 * N_PEAKS_MAX), dtype=jnp.float32)
    labels = jax.random.randint(k3, (N_TRAIN,), 0, 2 * N_KNOWN + 1)
    y_train = jax.nn.one_hot(labels, 2 * N_KNOWN + 1, dtype=jnp.float32)
    # Background estimation buffer (full, i.e. background_n frames collected)
    background_vector = jax.random.normal(k4, (BACKGROUND_N, FFT_SIZE_REAL), dtype=jnp.float32)
    apparent_power_list = jax.random.uniform(k5, (N_KNOWN,), dtype=jnp.float32, minval=0.0, maxval=100.0)
    current_state_vector = jnp.zeros((N_KNOWN + 1,), dtype=jnp.float32)
    return {"X": X, "X_train": X_train, "y_train": y_train,
            "background_vector": background_vector,
            "apparent_power_list": apparent_power_list,
            "current_state_vector": current_state_vector}


def reference(X, X_train, y_train, background_vector, apparent_power_list, current_state_vector):
    # crop_data_point: select the spectrum slice given spectrum_type, and the apparent power scalar
    i = SPECTRUM_TYPE * FFT_SIZE_REAL
    j = (SPECTRUM_TYPE + 1) * FFT_SIZE_REAL
    spectrum = X[i:j]
    apparent_power = X[-2]

    # tf_calculate_background: mean over the background buffer
    background = jnp.mean(background_vector, axis=0)
    # tf_subtract_background
    cleaned_spectrum = spectrum - background

    # feature extraction for the KNN: top-n_peaks_max peak amplitudes + their frequencies
    peak_amps, peak_idx = jax.lax.top_k(cleaned_spectrum, N_PEAKS_MAX)
    peak_freqs = peak_idx.astype(jnp.float32) * (SAMPLE_RATE / (2.0 * FFT_SIZE_REAL))
    features = jnp.concatenate([peak_amps, peak_freqs], axis=0)  # [2*N_PEAKS_MAX]

    # kNN classification: euclidean distances to all fitted samples (memory-bound scan)
    diff = X_train - features[None, :]
    dists = jnp.sqrt(jnp.sum(diff * diff, axis=1))  # [N_TRAIN]
    neg_top, nn_idx = jax.lax.top_k(-dists, N_NEIGHBORS)
    nn_dists = -neg_top
    nn_labels = jnp.take(y_train, nn_idx, axis=0)  # gather [k, 2N+1]
    votes = jnp.sum(nn_labels, axis=0)
    event_class = jnp.argmax(votes)
    # distance_threshold: nearest neighbor too far -> classify as "other"
    event_class = jnp.where(nn_dists[0] > DIST_THRESHOLD,
                            jnp.asarray(OTHER_CLASS, dtype=event_class.dtype), event_class)

    # calculate_state_vector: turn-on / turn-off / other
    is_on = event_class < N_KNOWN
    is_off = (event_class >= N_KNOWN) & (event_class < 2 * N_KNOWN)
    idx_on = jnp.clip(event_class, 0, N_KNOWN - 1)
    idx_off = jnp.clip(event_class - N_KNOWN, 0, N_KNOWN - 1)
    sv_on = current_state_vector.at[idx_on].set(apparent_power_list[idx_on])
    sv_off = current_state_vector.at[idx_off].set(0.0)
    new_sv = jnp.where(is_on, sv_on, jnp.where(is_off, sv_off, current_state_vector))

    # calculate_unknown_apparent_power: residual power goes to the "unknown" slot
    known_sum = jnp.sum(new_sv[:N_KNOWN])
    new_sv = new_sv.at[N_KNOWN].set(apparent_power - known_sum)
    return new_sv

if __name__ == "__main__":
    import jax
    _d = setup_inputs()
    print(jax.jit(kernel)(*tuple(_d.values())))

</pallas_src>

<mosaic_0001>
#map = affine_map<(d0, d1) -> (0)>
#map1 = affine_map<(d0, d1) -> (0, 0)>
module attributes {stable_mosaic.version = 14 : i64} {
  func.func @_topk_body(%arg0: i32, %arg1: i32, %arg2: memref<1048576xf32, #tpu.memory_space<hbm>>, %arg3: memref<32x16xf32, #tpu.memory_space<hbm>>, %arg4: memref<32x16xi32, #tpu.memory_space<hbm>>, %arg5: memref<32768xf32, #tpu.memory_space<vmem>>, %arg6: memref<16xf32, #tpu.memory_space<vmem>>, %arg7: memref<16xi32, #tpu.memory_space<vmem>>) attributes {dimension_semantics = [#tpu.dimension_semantics<core_parallel>, #tpu.dimension_semantics<subcore_parallel>], iteration_bounds = array<i64: 2, 16>, scalar_prefetch = 0 : i64, scratch_operands = 3 : i64, tpu.core_type = #tpu.core_type<sc_vector_subcore>, window_params = [{transform_indices = #map}, {transform_indices = #map1}, {transform_indices = #map1}]} {
    %mul3A = arith.constant 2 : i32
    %mul3A_0 = arith.muli %arg1, %mul3A : i32
    %add3A = arith.addi %mul3A_0, %arg0 : i32
    %mul3A_1 = arith.constant 32768 : i32
    %mul3A_2 = arith.muli %add3A, %mul3A_1 : i32
    %multiple_of3A = tpu.assume_multiple %mul3A_2, 8 : i32
    "tpu.region"() ({
      %run_scoped3A = tpu.sem_alloc : memref<!tpu.dma_semaphore, #tpu.memory_space<semaphore_mem>>
      %dma_start3A = tpu.memref_slice %arg2[%multiple_of3A] : memref<1048576xf32, #tpu.memory_space<hbm>> -> memref<32768xf32, #tpu.memory_space<hbm>>
      %dma_start3A_14 = tpu.memref_slice %arg2[%multiple_of3A] : memref<1048576xf32, #tpu.memory_space<hbm>> -> memref<32768xf32, #tpu.memory_space<hbm>>
      tpu.enqueue_dma source(%dma_start3A_14 : memref<32768xf32, #tpu.memory_space<hbm>>) target(%arg5 : memref<32768xf32, #tpu.memory_space<vmem>>) target_semaphore(%run_scoped3A : memref<!tpu.dma_semaphore, #tpu.memory_space<semaphore_mem>>)
      %dma_wait3A = tpu.memref_slice %arg2[%multiple_of3A] : memref<1048576xf32, #tpu.memory_space<hbm>> -> memref<32768xf32, #tpu.memory_space<hbm>>
      %dma_wait3A_15 = tpu.memref_slice %arg2[%multiple_of3A] : memref<1048576xf32, #tpu.memory_space<hbm>> -> memref<32768xf32, #tpu.memory_space<hbm>>
      tpu.wait_dma2 semaphore(%run_scoped3A : memref<!tpu.dma_semaphore, #tpu.memory_space<semaphore_mem>>) src(%dma_wait3A_15 : memref<32768xf32, #tpu.memory_space<hbm>>) dst(%arg5 : memref<32768xf32, #tpu.memory_space<vmem>>)
      tpu.yield
    }) : () -> ()
    %iota3A = tpu.iota {dimensions = array<i32: 0>} : vector<16xi32>
    %broadcast_in_dim3A = arith.constant 0x7F800000 : f32
    %broadcast_in_dim3A_3 = vector.broadcast %broadcast_in_dim3A : f32 to vector<16xf32>
    %broadcast_in_dim3A_4 = arith.constant 0 : i32
    %broadcast_in_dim3A_5 = vector.broadcast %broadcast_in_dim3A_4 : i32 to vector<16xi32>
    %scan3A = arith.constant 0 : i32
    %scan3A_6 = arith.constant 256 : i32
    %scan3A_7 = arith.addi %scan3A, %scan3A_6 : i32
    %scan3A_8 = arith.constant 1 : i32
    %scan3A_9:3 = scf.for %scan3A_14 = %scan3A to %scan3A_7 step %scan3A_8 iter_args(%scan3A_15 = %broadcast_in_dim3A_3, %scan3A_16 = %broadcast_in_dim3A_5, %scan3A_17 = %broadcast_in_dim3A_3) -> (vector<16xf32>, vector<16xi32>, vector<16xf32>)  : i32 {
      %mul3A_18 = arith.constant 8 : i32
      %mul3A_19 = arith.muli %scan3A_14, %mul3A_18 : i32
      %add3A_20 = arith.constant 0 : i32
      %add3A_21 = arith.addi %mul3A_19, %add3A_20 : i32
      %mul3A_22 = arith.constant 16 : i32
      %mul3A_23 = arith.muli %add3A_21, %mul3A_22 : i32
      %get3A = arith.index_cast %mul3A_23 : i32 to index
      %get3A_24 = tpu.vector_load %arg5[%get3A] {strides = array<i32>} : memref<32768xf32, #tpu.memory_space<vmem>>, vector<16xf32>,
      %mul3A_25 = arith.constant 8 : i32
      %mul3A_26 = arith.muli %scan3A_14, %mul3A_25 : i32
      %add3A_27 = arith.constant 1 : i32
      %add3A_28 = arith.addi %mul3A_26, %add3A_27 : i32
      %mul3A_29 = arith.constant 16 : i32
      %mul3A_30 = arith.muli %add3A_28, %mul3A_29 : i32
      %get3A_31 = arith.index_cast %mul3A_30 : i32 to index
      %get3A_32 = tpu.vector_load %arg5[%get3A_31] {strides = array<i32>} : memref<32768xf32, #tpu.memory_space<vmem>>, vector<16xf32>,
      %mul3A_33 = arith.constant 8 : i32
      %mul3A_34 = arith.muli %scan3A_14, %mul3A_33 : i32
      %add3A_35 = arith.constant 2 : i32
      %add3A_36 = arith.addi %mul3A_34, %add3A_35 : i32
      %mul3A_37 = arith.constant 16 : i32
      %mul3A_38 = arith.muli %add3A_36, %mul3A_37 : i32
      %get3A_39 = arith.index_cast %mul3A_38 : i32 to index
      %get3A_40 = tpu.vector_load %arg5[%get3A_39] {strides = array<i32>} : memref<32768xf32, #tpu.memory_space<vmem>>, vector<16xf32>,
      %mul3A_41 = arith.constant 8 : i32
      %mul3A_42 = arith.muli %scan3A_14, %mul3A_41 : i32
      %add3A_43 = arith.constant 3 : i32
      %add3A_44 = arith.addi %mul3A_42, %add3A_43 : i32
      %mul3A_45 = arith.constant 16 : i32
      %mul3A_46 = arith.muli %add3A_44, %mul3A_45 : i32
      %get3A_47 = arith.index_cast %mul3A_46 : i32 to index
      %get3A_48 = tpu.vector_load %arg5[%get3A_47] {strides = array<i32>} : memref<32768xf32, #tpu.memory_space<vmem>>, vector<16xf32>,
      %mul3A_49 = arith.constant 8 : i32
      %mul3A_50 = arith.muli %scan3A_14, %mul3A_49 : i32
      %add3A_51 = arith.constant 4 : i32
      %add3A_52 = arith.addi %mul3A_50, %add3A_51 : i32
      %mul3A_53 = arith.constant 16 : i32
      %mul3A_54 = arith.muli %add3A_52, %mul3A_53 : i32
      %get3A_55 = arith.index_cast %mul3A_54 : i32 to index
      %get3A_56 = tpu.vector_load %arg5[%get3A_55] {strides = array<i32>} : memref<32768xf32, #tpu.memory_space<vmem>>, vector<16xf32>,
      %mul3A_57 = arith.constant 8 : i32
      %mul3A_58 = arith.muli %scan3A_14, %mul3A_57 : i32
      %add3A_59 = arith.constant 5 : i32
      %add3A_60 = arith.addi %mul3A_58, %add3A_59 : i32
      %mul3A_61 = arith.constant 16 : i32
      %mul3A_62 = arith.muli %add3A_60, %mul3A_61 : i32
      %get3A_63 = arith.index_cast %mul3A_62 : i32 to index
      %get3A_64 = tpu.vector_load %arg5[%get3A_63] {strides = array<i32>} : memref<32768xf32, #tpu.memory_space<vmem>>, vector<16xf32>,
      %mul3A_65 = arith.constant 8 : i32
      %mul3A_66 = arith.muli %scan3A_14, %mul3A_65 : i32
      %add3A_67 = arith.constant 6 : i32
      %add3A_68 = arith.addi %mul3A_66, %add3A_67 : i32
      %mul3A_69 = arith.constant 16 : i32
      %mul3A_70 = arith.muli %add3A_68, %mul3A_69 : i32
      %get3A_71 = arith.index_cast %mul3A_70 : i32 to index
      %get3A_72 = tpu.vector_load %arg5[%get3A_71] {strides = array<i32>} : memref<32768xf32, #tpu.memory_space<vmem>>, vector<16xf32>,
      %mul3A_73 = arith.constant 8 : i32
      %mul3A_74 = arith.muli %scan3A_14, %mul3A_73 : i32
      %add3A_75 = arith.constant 7 : i32
      %add3A_76 = arith.addi %mul3A_74, %add3A_75 : i32
      %mul3A_77 = arith.constant 16 : i32
      %mul3A_78 = arith.muli %add3A_76, %mul3A_77 : i32
      %get3A_79 = arith.index_cast %mul3A_78 : i32 to index
      %get3A_80 = tpu.vector_load %arg5[%get3A_79] {strides = array<i32>} : memref<32768xf32, #tpu.memory_space<vmem>>, vector<16xf32>,
      %lt3A = arith.cmpf olt, %get3A_24, %scan3A_17 : vector<16xf32>
      %lt3A_81 = arith.cmpf olt, %get3A_32, %scan3A_17 : vector<16xf32>
      %or3A = arith.ori %lt3A, %lt3A_81 : vector<16xi1>
      %lt3A_82 = arith.cmpf olt, %get3A_40, %scan3A_17 : vector<16xf32>
      %or3A_83 = arith.ori %or3A, %lt3A_82 : vector<16xi1>
      %lt3A_84 = arith.cmpf olt, %get3A_48, %scan3A_17 : vector<16xf32>
      %or3A_85 = arith.ori %or3A_83, %lt3A_84 : vector<16xi1>
      %lt3A_86 = arith.cmpf olt, %get3A_56, %scan3A_17 : vector<16xf32>
      %or3A_87 = arith.ori %or3A_85, %lt3A_86 : vector<16xi1>
      %lt3A_88 = arith.cmpf olt, %get3A_64, %scan3A_17 : vector<16xf32>
      %or3A_89 = arith.ori %or3A_87, %lt3A_88 : vector<16xi1>
      %lt3A_90 = arith.cmpf olt, %get3A_72, %scan3A_17 : vector<16xf32>
      %or3A_91 = arith.ori %or3A_89, %lt3A_90 : vector<16xi1>
      %lt3A_92 = arith.cmpf olt, %get3A_80, %scan3A_17 : vector<16xf32>
      %or3A_93 = arith.ori %or3A_91, %lt3A_92 : vector<16xi1>
      %reduce_or3A = arith.constant 1.000000e+00 : f32
      %reduce_or3A_94 = arith.constant 0.000000e+00 : f32
      %reduce_or3A_95 = vector.broadcast %reduce_or3A : f32 to vector<16xf32>
      %reduce_or3A_96 = vector.broadcast %reduce_or3A_94 : f32 to vector<16xf32>
      %reduce_or3A_97 = arith.select %or3A_93, %reduce_or3A_95, %reduce_or3A_96 : vector<16xi1>, vector<16xf32>
      %reduce_or3A_98 = arith.constant true
      %reduce_or3A_99 = vector.broadcast %reduce_or3A_98 : i1 to vector<16xi1>
      %reduce_or3A_100 = tpu.scan <max>, %reduce_or3A_97 masked %reduce_or3A_99 : vector<16xf32>, vector<16xi1> -> vector<16xf32>
      %reduce_or3A_101 = vector.extract %reduce_or3A_100[15] : f32 from vector<16xf32>
      %reduce_or3A_102 = arith.constant 0.000000e+00 : f32
      %reduce_or3A_103 = arith.cmpf ogt, %reduce_or3A_101, %reduce_or3A_102 : f32
      %convert_element_type3A = arith.extui %reduce_or3A_103 : i1 to i32
      %cond3A = arith.constant 0 : i32
      %cond3A_104 = arith.cmpi ne, %convert_element_type3A, %cond3A : i32
      %cond3A_105:3 = scf.if %cond3A_104 -> (vector<16xf32>, vector<16xi32>, vector<16xf32>) {
        %mul3A_106 = arith.constant 8 : i32
        %mul3A_107 = arith.muli %scan3A_14, %mul3A_106 : i32
        %add3A_108 = arith.constant 0 : i32
        %add3A_109 = arith.addi %mul3A_107, %add3A_108 : i32
        %mul3A_110 = arith.constant 16 : i32
        %mul3A_111 = arith.muli %add3A_109, %mul3A_110 : i32
        %add3A_112 = arith.addi %mul3A_2, %mul3A_111 : i32
        %add3A_113 = vector.broadcast %add3A_112 : i32 to vector<16xi32>
        %add3A_114 = arith.addi %add3A_113, %iota3A : vector<16xi32>
        %lt3A_115 = arith.cmpf olt, %get3A_24, %scan3A_17 : vector<16xf32>
        %reduce_or3A_116 = arith.constant 1.000000e+00 : f32
        %reduce_or3A_117 = arith.constant 0.000000e+00 : f32
        %reduce_or3A_118 = vector.broadcast %reduce_or3A_116 : f32 to vector<16xf32>
        %reduce_or3A_119 = vector.broadcast %reduce_or3A_117 : f32 to vector<16xf32>
        %reduce_or3A_120 = arith.select %lt3A_115, %reduce_or3A_118, %reduce_or3A_119 : vector<16xi1>, vector<16xf32>
        %reduce_or3A_121 = arith.constant true
        %reduce_or3A_122 = vector.broadcast %reduce_or3A_121 : i1 to vector<16xi1>
        %reduce_or3A_123 = tpu.scan <max>, %reduce_or3A_120 masked %reduce_or3A_122 : vector<16xf32>, vector<16xi1> -> vector<16xf32>
        %reduce_or3A_124 = vector.extract %reduce_or3A_123[15] : f32 from vector<16xf32>
        %reduce_or3A_125 = arith.constant 0.000000e+00 : f32
        %reduce_or3A_126 = arith.cmpf ogt, %reduce_or3A_124, %reduce_or3A_125 : f32
        %convert_element_type3A_127 = arith.extui %reduce_or3A_126 : i1 to i32
        %cond3A_128 = arith.constant 0 : i32
        %cond3A_129 = arith.cmpi ne, %convert_element_type3A_127, %cond3A_128 : i32
        %cond3A_130:3 = scf.if %cond3A_129 -> (vector<16xf32>, vector<16xi32>, vector<16xf32>) {
          %masked_sort3A = arith.constant dense<true> : vector<16xi1>
          %masked_sort3A_306, %masked_sort3A_307, %masked_sort3A_308 = tpu.sort %get3A_24, %add3A_114 masked %masked_sort3A : (vector<16xf32>, vector<16xi32>, vector<16xi1>) -> (vector<16xi1>, vector<16xf32>, vector<16xi32>)
          %rev3A = arith.constant 15 : i32
          %rev3A_309 = vector.broadcast %rev3A : i32 to vector<16xi32>
          %rev3A_310 = tpu.iota {dimensions = array<i32: 0>} : vector<16xi32>
          %rev3A_311 = arith.subi %rev3A_309, %rev3A_310 : vector<16xi32>
          %rev3A_312 = tpu.dynamic_gather %masked_sort3A_307[%rev3A_311] in [0] : vector<16xf32>, vector<16xi32> -> vector<16xf32>
          %rev3A_313 = arith.constant 15 : i32
          %rev3A_314 = vector.broadcast %rev3A_313 : i32 to vector<16xi32>
          %rev3A_315 = tpu.iota {dimensions = array<i32: 0>} : vector<16xi32>
          %rev3A_316 = arith.subi %rev3A_314, %rev3A_315 : vector<16xi32>
          %rev3A_317 = tpu.dynamic_gather %masked_sort3A_308[%rev3A_316] in [0] : vector<16xi32>, vector<16xi32> -> vector<16xi32>
          %lt3A_318 = arith.cmpf olt, %scan3A_15, %rev3A_312 : vector<16xf32>
          %eq3A = arith.cmpf oeq, %scan3A_15, %rev3A_312 : vector<16xf32>
          %lt3A_319 = arith.cmpi slt, %scan3A_16, %rev3A_317 : vector<16xi32>
          %and3A = arith.andi %eq3A, %lt3A_319 : vector<16xi1>
          %or3A_320 = arith.ori %lt3A_318, %and3A : vector<16xi1>
          %select_n3A = arith.select %or3A_320, %scan3A_15, %rev3A_312 : vector<16xi1>, vector<16xf32>
          %select_n3A_321 = arith.select %or3A_320, %scan3A_16, %rev3A_317 : vector<16xi1>, vector<16xi32>
          %masked_sort3A_322 = arith.constant dense<true> : vector<16xi1>
          %masked_sort3A_323, %masked_sort3A_324, %masked_sort3A_325 = tpu.sort %select_n3A, %select_n3A_321 masked %masked_sort3A_322 : (vector<16xf32>, vector<16xi32>, vector<16xi1>) -> (vector<16xi1>, vector<16xf32>, vector<16xi32>)
          %slice3A = vector.extract_strided_slice %masked_sort3A_324 {offsets = [4], sizes = [1], strides = [1]} : vector<16xf32> to vector<1xf32>
          %squeeze3A = vector.extract %slice3A[0] : f32 from vector<1xf32>
          %broadcast_in_dim3A_326 = vector.broadcast %squeeze3A : f32 to vector<16xf32>
          scf.yield %masked_sort3A_324, %masked_sort3A_325, %broadcast_in_dim3A_326 : vector<16xf32>, vector<16xi32>, vector<16xf32>
        } else {
          scf.yield %scan3A_15, %scan3A_16, %scan3A_17 : vector<16xf32>, vector<16xi32>, vector<16xf32>
        }
        %mul3A_131 = arith.constant 8 : i32
        %mul3A_132 = arith.muli %scan3A_14, %mul3A_131 : i32
        %add3A_133 = arith.constant 1 : i32
        %add3A_134 = arith.addi %mul3A_132, %add3A_133 : i32
        %mul3A_135 = arith.constant 16 : i32
        %mul3A_136 = arith.muli %add3A_134, %mul3A_135 : i32
        %add3A_137 = arith.addi %mul3A_2, %mul3A_136 : i32
        %add3A_138 = vector.broadcast %add3A_137 : i32 to vector<16xi32>
        %add3A_139 = arith.addi %add3A_138, %iota3A : vector<16xi32>
        %lt3A_140 = arith.cmpf olt, %get3A_32, %cond3A_130#2 : vector<16xf32>
        %reduce_or3A_141 = arith.constant 1.000000e+00 : f32
        %reduce_or3A_142 = arith.constant 0.000000e+00 : f32
        %reduce_or3A_143 = vector.broadcast %reduce_or3A_141 : f32 to vector<16xf32>
        %reduce_or3A_144 = vector.broadcast %reduce_or3A_142 : f32 to vector<16xf32>
        %reduce_or3A_145 = arith.select %lt3A_140, %reduce_or3A_143, %reduce_or3A_144 : vector<16xi1>, vector<16xf32>
        %reduce_or3A_146 = arith.constant true
        %reduce_or3A_147 = vector.broadcast %reduce_or3A_146 : i1 to vector<16xi1>
        %reduce_or3A_148 = tpu.scan <max>, %reduce_or3A_145 masked %reduce_or3A_147 : vector<16xf32>, vector<16xi1> -> vector<16xf32>
        %reduce_or3A_149 = vector.extract %reduce_or3A_148[15] : f32 from vector<16xf32>
        %reduce_or3A_150 = arith.constant 0.000000e+00 : f32
        %reduce_or3A_151 = arith.cmpf ogt, %reduce_or3A_149, %reduce_or3A_150 : f32
        %convert_element_type3A_152 = arith.extui %reduce_or3A_151 : i1 to i32
        %cond3A_153 = arith.constant 0 : i32
        %cond3A_154 = arith.cmpi ne, %convert_element_type3A_152, %cond3A_153 : i32
        %cond3A_155:3 = scf.if %cond3A_154 -> (vector<16xf32>, vector<16xi32>, vector<16xf32>) {
          %masked_sort3A = arith.constant dense<true> : vector<16xi1>
          %masked_sort3A_306, %masked_sort3A_307, %masked_sort3A_308 = tpu.sort %get3A_32, %add3A_139 masked %masked_sort3A : (vector<16xf32>, vector<16xi32>, vector<16xi1>) -> (vector<16xi1>, vector<16xf32>, vector<16xi32>)
          %rev3A = arith.constant 15 : i32
          %rev3A_309 = vector.broadcast %rev3A : i32 to vector<16xi32>
          %rev3A_310 = tpu.iota {dimensions = array<i32: 0>} : vector<16xi32>
          %rev3A_311 = arith.subi %rev3A_309, %rev3A_310 : vector<16xi32>
          %rev3A_312 = tpu.dynamic_gather %masked_sort3A_307[%rev3A_311] in [0] : vector<16xf32>, vector<16xi32> -> vector<16xf32>
          %rev3A_313 = arith.constant 15 : i32
          %rev3A_314 = vector.broadcast %rev3A_313 : i32 to vector<16xi32>
          %rev3A_315 = tpu.iota {dimensions = array<i32: 0>} : vector<16xi32>
          %rev3A_316 = arith.subi %rev3A_314, %rev3A_315 : vector<16xi32>
          %rev3A_317 = tpu.dynamic_gather %masked_sort3A_308[%rev3A_316] in [0] : vector<16xi32>, vector<16xi32> -> vector<16xi32>
          %lt3A_318 = arith.cmpf olt, %cond3A_130#0, %rev3A_312 : vector<16xf32>
          %eq3A = arith.cmpf oeq, %cond3A_130#0, %rev3A_312 : vector<16xf32>
          %lt3A_319 = arith.cmpi slt, %cond3A_130#1, %rev3A_317 : vector<16xi32>
          %and3A = arith.andi %eq3A, %lt3A_319 : vector<16xi1>
          %or3A_320 = arith.ori %lt3A_318, %and3A : vector<16xi1>
          %select_n3A = arith.select %or3A_320, %cond3A_130#0, %rev3A_312 : vector<16xi1>, vector<16xf32>
          %select_n3A_321 = arith.select %or3A_320, %cond3A_130#1, %rev3A_317 : vector<16xi1>, vector<16xi32>
          %masked_sort3A_322 = arith.constant dense<true> : vector<16xi1>
          %masked_sort3A_323, %masked_sort3A_324, %masked_sort3A_325 = tpu.sort %select_n3A, %select_n3A_321 masked %masked_sort3A_322 : (vector<16xf32>, vector<16xi32>, vector<16xi1>) -> (vector<16xi1>, vector<16xf32>, vector<16xi32>)
          %slice3A = vector.extract_strided_slice %masked_sort3A_324 {offsets = [4], sizes = [1], strides = [1]} : vector<16xf32> to vector<1xf32>
          %squeeze3A = vector.extract %slice3A[0] : f32 from vector<1xf32>
          %broadcast_in_dim3A_326 = vector.broadcast %squeeze3A : f32 to vector<16xf32>
          scf.yield %masked_sort3A_324, %masked_sort3A_325, %broadcast_in_dim3A_326 : vector<16xf32>, vector<16xi32>, vector<16xf32>
        } else {
          scf.yield %cond3A_130#0, %cond3A_130#1, %cond3A_130#2 : vector<16xf32>, vector<16xi32>, vector<16xf32>
        }
        %mul3A_156 = arith.constant 8 : i32
        %mul3A_157 = arith.muli %scan3A_14, %mul3A_156 : i32
        %add3A_158 = arith.constant 2 : i32
        %add3A_159 = arith.addi %mul3A_157, %add3A_158 : i32
        %mul3A_160 = arith.constant 16 : i32
        %mul3A_161 = arith.muli %add3A_159, %mul3A_160 : i32
        %add3A_162 = arith.addi %mul3A_2, %mul3A_161 : i32
        %add3A_163 = vector.broadcast %add3A_162 : i32 to vector<16xi32>
        %add3A_164 = arith.addi %add3A_163, %iota3A : vector<16xi32>
        %lt3A_165 = arith.cmpf olt, %get3A_40, %cond3A_155#2 : vector<16xf32>
        %reduce_or3A_166 = arith.constant 1.000000e+00 : f32
        %reduce_or3A_167 = arith.constant 0.000000e+00 : f32
        %reduce_or3A_168 = vector.broadcast %reduce_or3A_166 : f32 to vector<16xf32>
        %reduce_or3A_169 = vector.broadcast %reduce_or3A_167 : f32 to vector<16xf32>
        %reduce_or3A_170 = arith.select %lt3A_165, %reduce_or3A_168, %reduce_or3A_169 : vector<16xi1>, vector<16xf32>
        %reduce_or3A_171 = arith.constant true
        %reduce_or3A_172 = vector.broadcast %reduce_or3A_171 : i1 to vector<16xi1>
        %reduce_or3A_173 = tpu.scan <max>, %reduce_or3A_170 masked %reduce_or3A_172 : vector<16xf32>, vector<16xi1> -> vector<16xf32>
        %reduce_or3A_174 = vector.extract %reduce_or3A_173[15] : f32 from vector<16xf32>
        %reduce_or3A_175 = arith.constant 0.000000e+00 : f32
        %reduce_or3A_176 = arith.cmpf ogt, %reduce_or3A_174, %reduce_or3A_175 : f32
        %convert_element_type3A_177 = arith.extui %reduce_or3A_176 : i1 to i32
        %cond3A_178 = arith.constant 0 : i32
        %cond3A_179 = arith.cmpi ne, %convert_element_type3A_177, %cond3A_178 : i32
        %cond3A_180:3 = scf.if %cond3A_179 -> (vector<16xf32>, vector<16xi32>, vector<16xf32>) {
          %masked_sort3A = arith.constant dense<true> : vector<16xi1>
          %masked_sort3A_306, %masked_sort3A_307, %masked_sort3A_308 = tpu.sort %get3A_40, %add3A_164 masked %masked_sort3A : (vector<16xf32>, vector<16xi32>, vector<16xi1>) -> (vector<16xi1>, vector<16xf32>, vector<16xi32>)
          %rev3A = arith.constant 15 : i32
          %rev3A_309 = vector.broadcast %rev3A : i32 to vector<16xi32>
          %rev3A_310 = tpu.iota {dimensions = array<i32: 0>} : vector<16xi32>
          %rev3A_311 = arith.subi %rev3A_309, %rev3A_310 : vector<16xi32>
          %rev3A_312 = tpu.dynamic_gather %masked_sort3A_307[%rev3A_311] in [0] : vector<16xf32>, vector<16xi32> -> vector<16xf32>
          %rev3A_313 = arith.constant 15 : i32
          %rev3A_314 = vector.broadcast %rev3A_313 : i32 to vector<16xi32>
          %rev3A_315 = tpu.iota {dimensions = array<i32: 0>} : vector<16xi32>
          %rev3A_316 = arith.subi %rev3A_314, %rev3A_315 : vector<16xi32>
          %rev3A_317 = tpu.dynamic_gather %masked_sort3A_308[%rev3A_316] in [0] : vector<16xi32>, vector<16xi32> -> vector<16xi32>
          %lt3A_318 = arith.cmpf olt, %cond3A_155#0, %rev3A_312 : vector<16xf32>
          %eq3A = arith.cmpf oeq, %cond3A_155#0, %rev3A_312 : vector<16xf32>
          %lt3A_319 = arith.cmpi slt, %cond3A_155#1, %rev3A_317 : vector<16xi32>
          %and3A = arith.andi %eq3A, %lt3A_319 : vector<16xi1>
          %or3A_320 = arith.ori %lt3A_318, %and3A : vector<16xi1>
          %select_n3A = arith.select %or3A_320, %cond3A_155#0, %rev3A_312 : vector<16xi1>, vector<16xf32>
          %select_n3A_321 = arith.select %or3A_320, %cond3A_155#1, %rev3A_317 : vector<16xi1>, vector<16xi32>
          %masked_sort3A_322 = arith.constant dense<true> : vector<16xi1>
          %masked_sort3A_323, %masked_sort3A_324, %masked_sort3A_325 = tpu.sort %select_n3A, %select_n3A_321 masked %masked_sort3A_322 : (vector<16xf32>, vector<16xi32>, vector<16xi1>) -> (vector<16xi1>, vector<16xf32>, vector<16xi32>)
          %slice3A = vector.extract_strided_slice %masked_sort3A_324 {offsets = [4], sizes = [1], strides = [1]} : vector<16xf32> to vector<1xf32>
          %squeeze3A = vector.extract %slice3A[0] : f32 from vector<1xf32>
          %broadcast_in_dim3A_326 = vector.broadcast %squeeze3A : f32 to vector<16xf32>
          scf.yield %masked_sort3A_324, %masked_sort3A_325, %broadcast_in_dim3A_326 : vector<16xf32>, vector<16xi32>, vector<16xf32>
        } else {
          scf.yield %cond3A_155#0, %cond3A_155#1, %cond3A_155#2 : vector<16xf32>, vector<16xi32>, vector<16xf32>
        }
        %mul3A_181 = arith.constant 8 : i32
        %mul3A_182 = arith.muli %scan3A_14, %mul3A_181 : i32
        %add3A_183 = arith.constant 3 : i32
        %add3A_184 = arith.addi %mul3A_182, %add3A_183 : i32
        %mul3A_185 = arith.constant 16 : i32
        %mul3A_186 = arith.muli %add3A_184, %mul3A_185 : i32
        %add3A_187 = arith.addi %mul3A_2, %mul3A_186 : i32
        %add3A_188 = vector.broadcast %add3A_187 : i32 to vector<16xi32>
        %add3A_189 = arith.addi %add3A_188, %iota3A : vector<16xi32>
        %lt3A_190 = arith.cmpf olt, %get3A_48, %cond3A_180#2 : vector<16xf32>
        %reduce_or3A_191 = arith.constant 1.000000e+00 : f32
        %reduce_or3A_192 = arith.constant 0.000000e+00 : f32
        %reduce_or3A_193 = vector.broadcast %reduce_or3A_191 : f32 to vector<16xf32>
        %reduce_or3A_194 = vector.broadcast %reduce_or3A_192 : f32 to vector<16xf32>
        %reduce_or3A_195 = arith.select %lt3A_190, %reduce_or3A_193, %reduce_or3A_194 : vector<16xi1>, vector<16xf32>
        %reduce_or3A_196 = arith.constant true
        %reduce_or3A_197 = vector.broadcast %reduce_or3A_196 : i1 to vector<16xi1>
        %reduce_or3A_198 = tpu.scan <max>, %reduce_or3A_195 masked %reduce_or3A_197 : vector<16xf32>, vector<16xi1> -> vector<16xf32>
        %reduce_or3A_199 = vector.extract %reduce_or3A_198[15] : f32 from vector<16xf32>
        %reduce_or3A_200 = arith.constant 0.000000e+00 : f32
        %reduce_or3A_201 = arith.cmpf ogt, %reduce_or3A_199, %reduce_or3A_200 : f32
        %convert_element_type3A_202 = arith.extui %reduce_or3A_201 : i1 to i32
        %cond3A_203 = arith.constant 0 : i32
        %cond3A_204 = arith.cmpi ne, %convert_element_type3A_202, %cond3A_203 : i32
        %cond3A_205:3 = scf.if %cond3A_204 -> (vector<16xf32>, vector<16xi32>, vector<16xf32>) {
          %masked_sort3A = arith.constant dense<true> : vector<16xi1>
          %masked_sort3A_306, %masked_sort3A_307, %masked_sort3A_308 = tpu.sort %get3A_48, %add3A_189 masked %masked_sort3A : (vector<16xf32>, vector<16xi32>, vector<16xi1>) -> (vector<16xi1>, vector<16xf32>, vector<16xi32>)
          %rev3A = arith.constant 15 : i32
          %rev3A_309 = vector.broadcast %rev3A : i32 to vector<16xi32>
          %rev3A_310 = tpu.iota {dimensions = array<i32: 0>} : vector<16xi32>
          %rev3A_311 = arith.subi %rev3A_309, %rev3A_310 : vector<16xi32>
          %rev3A_312 = tpu.dynamic_gather %masked_sort3A_307[%rev3A_311] in [0] : vector<16xf32>, vector<16xi32> -> vector<16xf32>
          %rev3A_313 = arith.constant 15 : i32
          %rev3A_314 = vector.broadcast %rev3A_313 : i32 to vector<16xi32>
          %rev3A_315 = tpu.iota {dimensions = array<i32: 0>} : vector<16xi32>
          %rev3A_316 = arith.subi %rev3A_314, %rev3A_315 : vector<16xi32>
          %rev3A_317 = tpu.dynamic_gather %masked_sort3A_308[%rev3A_316] in [0] : vector<16xi32>, vector<16xi32> -> vector<16xi32>
          %lt3A_318 = arith.cmpf olt, %cond3A_180#0, %rev3A_312 : vector<16xf32>
          %eq3A = arith.cmpf oeq, %cond3A_180#0, %rev3A_312 : vector<16xf32>
          %lt3A_319 = arith.cmpi slt, %cond3A_180#1, %rev3A_317 : vector<16xi32>
          %and3A = arith.andi %eq3A, %lt3A_319 : vector<16xi1>
          %or3A_320 = arith.ori %lt3A_318, %and3A : vector<16xi1>
          %select_n3A = arith.select %or3A_320, %cond3A_180#0, %rev3A_312 : vector<16xi1>, vector<16xf32>
          %select_n3A_321 = arith.select %or3A_320, %cond3A_180#1, %rev3A_317 : vector<16xi1>, vector<16xi32>
          %masked_sort3A_322 = arith.constant dense<true> : vector<16xi1>
          %masked_sort3A_323, %masked_sort3A_324, %masked_sort3A_325 = tpu.sort %select_n3A, %select_n3A_321 masked %masked_sort3A_322 : (vector<16xf32>, vector<16xi32>, vector<16xi1>) -> (vector<16xi1>, vector<16xf32>, vector<16xi32>)
          %slice3A = vector.extract_strided_slice %masked_sort3A_324 {offsets = [4], sizes = [1], strides = [1]} : vector<16xf32> to vector<1xf32>
          %squeeze3A = vector.extract %slice3A[0] : f32 from vector<1xf32>
          %broadcast_in_dim3A_326 = vector.broadcast %squeeze3A : f32 to vector<16xf32>
          scf.yield %masked_sort3A_324, %masked_sort3A_325, %broadcast_in_dim3A_326 : vector<16xf32>, vector<16xi32>, vector<16xf32>
        } else {
          scf.yield %cond3A_180#0, %cond3A_180#1, %cond3A_180#2 : vector<16xf32>, vector<16xi32>, vector<16xf32>
        }
        %mul3A_206 = arith.constant 8 : i32
        %mul3A_207 = arith.muli %scan3A_14, %mul3A_206 : i32
        %add3A_208 = arith.constant 4 : i32
        %add3A_209 = arith.addi %mul3A_207, %add3A_208 : i32
        %mul3A_210 = arith.constant 16 : i32
        %mul3A_211 = arith.muli %add3A_209, %mul3A_210 : i32
        %add3A_212 = arith.addi %mul3A_2, %mul3A_211 : i32
        %add3A_213 = vector.broadcast %add3A_212 : i32 to vector<16xi32>
        %add3A_214 = arith.addi %add3A_213, %iota3A : vector<16xi32>
        %lt3A_215 = arith.cmpf olt, %get3A_56, %cond3A_205#2 : vector<16xf32>
        %reduce_or3A_216 = arith.constant 1.000000e+00 : f32
        %reduce_or3A_217 = arith.constant 0.000000e+00 : f32
        %reduce_or3A_218 = vector.broadcast %reduce_or3A_216 : f32 to vector<16xf32>
        %reduce_or3A_219 = vector.broadcast %reduce_or3A_217 : f32 to vector<16xf32>
        %reduce_or3A_220 = arith.select %lt3A_215, %reduce_or3A_218, %reduce_or3A_219 : vector<16xi1>, vector<16xf32>
        %reduce_or3A_221 = arith.constant true
        %reduce_or3A_222 = vector.broadcast %reduce_or3A_221 : i1 to vector<16xi1>
        %reduce_or3A_223 = tpu.scan <max>, %reduce_or3A_220 masked %reduce_or3A_222 : vector<16xf32>, vector<16xi1> -> vector<16xf32>
        %reduce_or3A_224 = vector.extract %reduce_or3A_223[15] : f32 from vector<16xf32>
        %reduce_or3A_225 = arith.constant 0.000000e+00 : f32
        %reduce_or3A_226 = arith.cmpf ogt, %reduce_or3A_224, %reduce_or3A_225 : f32
        %convert_element_type3A_227 = arith.extui %reduce_or3A_226 : i1 to i32
        %cond3A_228 = arith.constant 0 : i32
        %cond3A_229 = arith.cmpi ne, %convert_element_type3A_227, %cond3A_228 : i32
        %cond3A_230:3 = scf.if %cond3A_229 -> (vector<16xf32>, vector<16xi32>, vector<16xf32>) {
          %masked_sort3A = arith.constant dense<true> : vector<16xi1>
          %masked_sort3A_306, %masked_sort3A_307, %masked_sort3A_308 = tpu.sort %get3A_56, %add3A_214 masked %masked_sort3A : (vector<16xf32>, vector<16xi32>, vector<16xi1>) -> (vector<16xi1>, vector<16xf32>, vector<16xi32>)
          %rev3A = arith.constant 15 : i32
          %rev3A_309 = vector.broadcast %rev3A : i32 to vector<16xi32>
          %rev3A_310 = tpu.iota {dimensions = array<i32: 0>} : vector<16xi32>
          %rev3A_311 = arith.subi %rev3A_309, %rev3A_310 : vector<16xi32>
          %rev3A_312 = tpu.dynamic_gather %masked_sort3A_307[%rev3A_311] in [0] : vector<16xf32>, vector<16xi32> -> vector<16xf32>
          %rev3A_313 = arith.constant 15 : i32
          %rev3A_314 = vector.broadcast %rev3A_313 : i32 to vector<16xi32>
          %rev3A_315 = tpu.iota {dimensions = array<i32: 0>} : vector<16xi32>
          %rev3A_316 = arith.subi %rev3A_314, %rev3A_315 : vector<16xi32>
          %rev3A_317 = tpu.dynamic_gather %masked_sort3A_308[%rev3A_316] in [0] : vector<16xi32>, vector<16xi32> -> vector<16xi32>
          %lt3A_318 = arith.cmpf olt, %cond3A_205#0, %rev3A_312 : vector<16xf32>
          %eq3A = arith.cmpf oeq, %cond3A_205#0, %rev3A_312 : vector<16xf32>
          %lt3A_319 = arith.cmpi slt, %cond3A_205#1, %rev3A_317 : vector<16xi32>
          %and3A = arith.andi %eq3A, %lt3A_319 : vector<16xi1>
          %or3A_320 = arith.ori %lt3A_318, %and3A : vector<16xi1>
          %select_n3A = arith.select %or3A_320, %cond3A_205#0, %rev3A_312 : vector<16xi1>, vector<16xf32>
          %select_n3A_321 = arith.select %or3A_320, %cond3A_205#1, %rev3A_317 : vector<16xi1>, vector<16xi32>
          %masked_sort3A_322 = arith.constant dense<true> : vector<16xi1>
          %masked_sort3A_323, %masked_sort3A_324, %masked_sort3A_325 = tpu.sort %select_n3A, %select_n3A_321 masked %masked_sort3A_322 : (vector<16xf32>, vector<16xi32>, vector<16xi1>) -> (vector<16xi1>, vector<16xf32>, vector<16xi32>)
          %slice3A = vector.extract_strided_slice %masked_sort3A_324 {offsets = [4], sizes = [1], strides = [1]} : vector<16xf32> to vector<1xf32>
          %squeeze3A = vector.extract %slice3A[0] : f32 from vector<1xf32>
          %broadcast_in_dim3A_326 = vector.broadcast %squeeze3A : f32 to vector<16xf32>
          scf.yield %masked_sort3A_324, %masked_sort3A_325, %broadcast_in_dim3A_326 : vector<16xf32>, vector<16xi32>, vector<16xf32>
        } else {
          scf.yield %cond3A_205#0, %cond3A_205#1, %cond3A_205#2 : vector<16xf32>, vector<16xi32>, vector<16xf32>
        }
        %mul3A_231 = arith.constant 8 : i32
        %mul3A_232 = arith.muli %scan3A_14, %mul3A_231 : i32
        %add3A_233 = arith.constant 5 : i32
        %add3A_234 = arith.addi %mul3A_232, %add3A_233 : i32
        %mul3A_235 = arith.constant 16 : i32
        %mul3A_236 = arith.muli %add3A_234, %mul3A_235 : i32
        %add3A_237 = arith.addi %mul3A_2, %mul3A_236 : i32
        %add3A_238 = vector.broadcast %add3A_237 : i32 to vector<16xi32>
        %add3A_239 = arith.addi %add3A_238, %iota3A : vector<16xi32>
        %lt3A_240 = arith.cmpf olt, %get3A_64, %cond3A_230#2 : vector<16xf32>
        %reduce_or3A_241 = arith.constant 1.000000e+00 : f32
        %reduce_or3A_242 = arith.constant 0.000000e+00 : f32
        %reduce_or3A_243 = vector.broadcast %reduce_or3A_241 : f32 to vector<16xf32>
        %reduce_or3A_244 = vector.broadcast %reduce_or3A_242 : f32 to vector<16xf32>
        %reduce_or3A_245 = arith.select %lt3A_240, %reduce_or3A_243, %reduce_or3A_244 : vector<16xi1>, vector<16xf32>
        %reduce_or3A_246 = arith.constant true
        %reduce_or3A_247 = vector.broadcast %reduce_or3A_246 : i1 to vector<16xi1>
        %reduce_or3A_248 = tpu.scan <max>, %reduce_or3A_245 masked %reduce_or3A_247 : vector<16xf32>, vector<16xi1> -> vector<16xf32>
        %reduce_or3A_249 = vector.extract %reduce_or3A_248[15] : f32 from vector<16xf32>
        %reduce_or3A_250 = arith.constant 0.000000e+00 : f32
        %reduce_or3A_251 = arith.cmpf ogt, %reduce_or3A_249, %reduce_or3A_250 : f32
        %convert_element_type3A_252 = arith.extui %reduce_or3A_251 : i1 to i32
        %cond3A_253 = arith.constant 0 : i32
        %cond3A_254 = arith.cmpi ne, %convert_element_type3A_252, %cond3A_253 : i32
        %cond3A_255:3 = scf.if %cond3A_254 -> (vector<16xf32>, vector<16xi32>, vector<16xf32>) {
          %masked_sort3A = arith.constant dense<true> : vector<16xi1>
          %masked_sort3A_306, %masked_sort3A_307, %masked_sort3A_308 = tpu.sort %get3A_64, %add3A_239 masked %masked_sort3A : (vector<16xf32>, vector<16xi32>, vector<16xi1>) -> (vector<16xi1>, vector<16xf32>, vector<16xi32>)
          %rev3A = arith.constant 15 : i32
          %rev3A_309 = vector.broadcast %rev3A : i32 to vector<16xi32>
          %rev3A_310 = tpu.iota {dimensions = array<i32: 0>} : vector<16xi32>
          %rev3A_311 = arith.subi %rev3A_309, %rev3A_310 : vector<16xi32>
          %rev3A_312 = tpu.dynamic_gather %masked_sort3A_307[%rev3A_311] in [0] : vector<16xf32>, vector<16xi32> -> vector<16xf32>
          %rev3A_313 = arith.constant 15 : i32
          %rev3A_314 = vector.broadcast %rev3A_313 : i32 to vector<16xi32>
          %rev3A_315 = tpu.iota {dimensions = array<i32: 0>} : vector<16xi32>
          %rev3A_316 = arith.subi %rev3A_314, %rev3A_315 : vector<16xi32>
          %rev3A_317 = tpu.dynamic_gather %masked_sort3A_308[%rev3A_316] in [0] : vector<16xi32>, vector<16xi32> -> vector<16xi32>
          %lt3A_318 = arith.cmpf olt, %cond3A_230#0, %rev3A_312 : vector<16xf32>
          %eq3A = arith.cmpf oeq, %cond3A_230#0, %rev3A_312 : vector<16xf32>
          %lt3A_319 = arith.cmpi slt, %cond3A_230#1, %rev3A_317 : vector<16xi32>
          %and3A = arith.andi %eq3A, %lt3A_319 : vector<16xi1>
          %or3A_320 = arith.ori %lt3A_318, %and3A : vector<16xi1>
          %select_n3A = arith.select %or3A_320, %cond3A_230#0, %rev3A_312 : vector<16xi1>, vector<16xf32>
          %select_n3A_321 = arith.select %or3A_320, %cond3A_230#1, %rev3A_317 : vector<16xi1>, vector<16xi32>
          %masked_sort3A_322 = arith.constant dense<true> : vector<16xi1>
          %masked_sort3A_323, %masked_sort3A_324, %masked_sort3A_325 = tpu.sort %select_n3A, %select_n3A_321 masked %masked_sort3A_322 : (vector<16xf32>, vector<16xi32>, vector<16xi1>) -> (vector<16xi1>, vector<16xf32>, vector<16xi32>)
          %slice3A = vector.extract_strided_slice %masked_sort3A_324 {offsets = [4], sizes = [1], strides = [1]} : vector<16xf32> to vector<1xf32>
          %squeeze3A = vector.extract %slice3A[0] : f32 from vector<1xf32>
          %broadcast_in_dim3A_326 = vector.broadcast %squeeze3A : f32 to vector<16xf32>
          scf.yield %masked_sort3A_324, %masked_sort3A_325, %broadcast_in_dim3A_326 : vector<16xf32>, vector<16xi32>, vector<16xf32>
        } else {
          scf.yield %cond3A_230#0, %cond3A_230#1, %cond3A_230#2 : vector<16xf32>, vector<16xi32>, vector<16xf32>
        }
        %mul3A_256 = arith.constant 8 : i32
        %mul3A_257 = arith.muli %scan3A_14, %mul3A_256 : i32
        %add3A_258 = arith.constant 6 : i32
        %add3A_259 = arith.addi %mul3A_257, %add3A_258 : i32
        %mul3A_260 = arith.constant 16 : i32
        %mul3A_261 = arith.muli %add3A_259, %mul3A_260 : i32
        %add3A_262 = arith.addi %mul3A_2, %mul3A_261 : i32
        %add3A_263 = vector.broadcast %add3A_262 : i32 to vector<16xi32>
        %add3A_264 = arith.addi %add3A_263, %iota3A : vector<16xi32>
        %lt3A_265 = arith.cmpf olt, %get3A_72, %cond3A_255#2 : vector<16xf32>
        %reduce_or3A_266 = arith.constant 1.000000e+00 : f32
        %reduce_or3A_267 = arith.constant 0.000000e+00 : f32
        %reduce_or3A_268 = vector.broadcast %reduce_or3A_266 : f32 to vector<16xf32>
        %reduce_or3A_269 = vector.broadcast %reduce_or3A_267 : f32 to vector<16xf32>
        %reduce_or3A_270 = arith.select %lt3A_265, %reduce_or3A_268, %reduce_or3A_269 : vector<16xi1>, vector<16xf32>
        %reduce_or3A_271 = arith.constant true
        %reduce_or3A_272 = vector.broadcast %reduce_or3A_271 : i1 to vector<16xi1>
        %reduce_or3A_273 = tpu.scan <max>, %reduce_or3A_270 masked %reduce_or3A_272 : vector<16xf32>, vector<16xi1> -> vector<16xf32>
        %reduce_or3A_274 = vector.extract %reduce_or3A_273[15] : f32 from vector<16xf32>
        %reduce_or3A_275 = arith.constant 0.000000e+00 : f32
        %reduce_or3A_276 = arith.cmpf ogt, %reduce_or3A_274, %reduce_or3A_275 : f32
        %convert_element_type3A_277 = arith.extui %reduce_or3A_276 : i1 to i32
        %cond3A_278 = arith.constant 0 : i32
        %cond3A_279 = arith.cmpi ne, %convert_element_type3A_277, %cond3A_278 : i32
        %cond3A_280:3 = scf.if %cond3A_279 -> (vector<16xf32>, vector<16xi32>, vector<16xf32>) {
          %masked_sort3A = arith.constant dense<true> : vector<16xi1>
          %masked_sort3A_306, %masked_sort3A_307, %masked_sort3A_308 = tpu.sort %get3A_72, %add3A_264 masked %masked_sort3A : (vector<16xf32>, vector<16xi32>, vector<16xi1>) -> (vector<16xi1>, vector<16xf32>, vector<16xi32>)
          %rev3A = arith.constant 15 : i32
          %rev3A_309 = vector.broadcast %rev3A : i32 to vector<16xi32>
          %rev3A_310 = tpu.iota {dimensions = array<i32: 0>} : vector<16xi32>
          %rev3A_311 = arith.subi %rev3A_309, %rev3A_310 : vector<16xi32>
          %rev3A_312 = tpu.dynamic_gather %masked_sort3A_307[%rev3A_311] in [0] : vector<16xf32>, vector<16xi32> -> vector<16xf32>
          %rev3A_313 = arith.constant 15 : i32
          %rev3A_314 = vector.broadcast %rev3A_313 : i32 to vector<16xi32>
          %rev3A_315 = tpu.iota {dimensions = array<i32: 0>} : vector<16xi32>
          %rev3A_316 = arith.subi %rev3A_314, %rev3A_315 : vector<16xi32>
          %rev3A_317 = tpu.dynamic_gather %masked_sort3A_308[%rev3A_316] in [0] : vector<16xi32>, vector<16xi32> -> vector<16xi32>
          %lt3A_318 = arith.cmpf olt, %cond3A_255#0, %rev3A_312 : vector<16xf32>
          %eq3A = arith.cmpf oeq, %cond3A_255#0, %rev3A_312 : vector<16xf32>
          %lt3A_319 = arith.cmpi slt, %cond3A_255#1, %rev3A_317 : vector<16xi32>
          %and3A = arith.andi %eq3A, %lt3A_319 : vector<16xi1>
          %or3A_320 = arith.ori %lt3A_318, %and3A : vector<16xi1>
          %select_n3A = arith.select %or3A_320, %cond3A_255#0, %rev3A_312 : vector<16xi1>, vector<16xf32>
          %select_n3A_321 = arith.select %or3A_320, %cond3A_255#1, %rev3A_317 : vector<16xi1>, vector<16xi32>
          %masked_sort3A_322 = arith.constant dense<true> : vector<16xi1>
          %masked_sort3A_323, %masked_sort3A_324, %masked_sort3A_325 = tpu.sort %select_n3A, %select_n3A_321 masked %masked_sort3A_322 : (vector<16xf32>, vector<16xi32>, vector<16xi1>) -> (vector<16xi1>, vector<16xf32>, vector<16xi32>)
          %slice3A = vector.extract_strided_slice %masked_sort3A_324 {offsets = [4], sizes = [1], strides = [1]} : vector<16xf32> to vector<1xf32>
          %squeeze3A = vector.extract %slice3A[0] : f32 from vector<1xf32>
          %broadcast_in_dim3A_326 = vector.broadcast %squeeze3A : f32 to vector<16xf32>
          scf.yield %masked_sort3A_324, %masked_sort3A_325, %broadcast_in_dim3A_326 : vector<16xf32>, vector<16xi32>, vector<16xf32>
        } else {
          scf.yield %cond3A_255#0, %cond3A_255#1, %cond3A_255#2 : vector<16xf32>, vector<16xi32>, vector<16xf32>
        }
        %mul3A_281 = arith.constant 8 : i32
        %mul3A_282 = arith.muli %scan3A_14, %mul3A_281 : i32
        %add3A_283 = arith.constant 7 : i32
        %add3A_284 = arith.addi %mul3A_282, %add3A_283 : i32
        %mul3A_285 = arith.constant 16 : i32
        %mul3A_286 = arith.muli %add3A_284, %mul3A_285 : i32
        %add3A_287 = arith.addi %mul3A_2, %mul3A_286 : i32
        %add3A_288 = vector.broadcast %add3A_287 : i32 to vector<16xi32>
        %add3A_289 = arith.addi %add3A_288, %iota3A : vector<16xi32>
        %lt3A_290 = arith.cmpf olt, %get3A_80, %cond3A_280#2 : vector<16xf32>
        %reduce_or3A_291 = arith.constant 1.000000e+00 : f32
        %reduce_or3A_292 = arith.constant 0.000000e+00 : f32
        %reduce_or3A_293 = vector.broadcast %reduce_or3A_291 : f32 to vector<16xf32>
        %reduce_or3A_294 = vector.broadcast %reduce_or3A_292 : f32 to vector<16xf32>
        %reduce_or3A_295 = arith.select %lt3A_290, %reduce_or3A_293, %reduce_or3A_294 : vector<16xi1>, vector<16xf32>
        %reduce_or3A_296 = arith.constant true
        %reduce_or3A_297 = vector.broadcast %reduce_or3A_296 : i1 to vector<16xi1>
        %reduce_or3A_298 = tpu.scan <max>, %reduce_or3A_295 masked %reduce_or3A_297 : vector<16xf32>, vector<16xi1> -> vector<16xf32>
        %reduce_or3A_299 = vector.extract %reduce_or3A_298[15] : f32 from vector<16xf32>
        %reduce_or3A_300 = arith.constant 0.000000e+00 : f32
        %reduce_or3A_301 = arith.cmpf ogt, %reduce_or3A_299, %reduce_or3A_300 : f32
        %convert_element_type3A_302 = arith.extui %reduce_or3A_301 : i1 to i32
        %cond3A_303 = arith.constant 0 : i32
        %cond3A_304 = arith.cmpi ne, %convert_element_type3A_302, %cond3A_303 : i32
        %cond3A_305:3 = scf.if %cond3A_304 -> (vector<16xf32>, vector<16xi32>, vector<16xf32>) {
          %masked_sort3A = arith.constant dense<true> : vector<16xi1>
          %masked_sort3A_306, %masked_sort3A_307, %masked_sort3A_308 = tpu.sort %get3A_80, %add3A_289 masked %masked_sort3A : (vector<16xf32>, vector<16xi32>, vector<16xi1>) -> (vector<16xi1>, vector<16xf32>, vector<16xi32>)
          %rev3A = arith.constant 15 : i32
          %rev3A_309 = vector.broadcast %rev3A : i32 to vector<16xi32>
          %rev3A_310 = tpu.iota {dimensions = array<i32: 0>} : vector<16xi32>
          %rev3A_311 = arith.subi %rev3A_309, %rev3A_310 : vector<16xi32>
          %rev3A_312 = tpu.dynamic_gather %masked_sort3A_307[%rev3A_311] in [0] : vector<16xf32>, vector<16xi32> -> vector<16xf32>
          %rev3A_313 = arith.constant 15 : i32
          %rev3A_314 = vector.broadcast %rev3A_313 : i32 to vector<16xi32>
          %rev3A_315 = tpu.iota {dimensions = array<i32: 0>} : vector<16xi32>
          %rev3A_316 = arith.subi %rev3A_314, %rev3A_315 : vector<16xi32>
          %rev3A_317 = tpu.dynamic_gather %masked_sort3A_308[%rev3A_316] in [0] : vector<16xi32>, vector<16xi32> -> vector<16xi32>
          %lt3A_318 = arith.cmpf olt, %cond3A_280#0, %rev3A_312 : vector<16xf32>
          %eq3A = arith.cmpf oeq, %cond3A_280#0, %rev3A_312 : vector<16xf32>
          %lt3A_319 = arith.cmpi slt, %cond3A_280#1, %rev3A_317 : vector<16xi32>
          %and3A = arith.andi %eq3A, %lt3A_319 : vector<16xi1>
          %or3A_320 = arith.ori %lt3A_318, %and3A : vector<16xi1>
          %select_n3A = arith.select %or3A_320, %cond3A_280#0, %rev3A_312 : vector<16xi1>, vector<16xf32>
          %select_n3A_321 = arith.select %or3A_320, %cond3A_280#1, %rev3A_317 : vector<16xi1>, vector<16xi32>
          %masked_sort3A_322 = arith.constant dense<true> : vector<16xi1>
          %masked_sort3A_323, %masked_sort3A_324, %masked_sort3A_325 = tpu.sort %select_n3A, %select_n3A_321 masked %masked_sort3A_322 : (vector<16xf32>, vector<16xi32>, vector<16xi1>) -> (vector<16xi1>, vector<16xf32>, vector<16xi32>)
          %slice3A = vector.extract_strided_slice %masked_sort3A_324 {offsets = [4], sizes = [1], strides = [1]} : vector<16xf32> to vector<1xf32>
          %squeeze3A = vector.extract %slice3A[0] : f32 from vector<1xf32>
          %broadcast_in_dim3A_326 = vector.broadcast %squeeze3A : f32 to vector<16xf32>
          scf.yield %masked_sort3A_324, %masked_sort3A_325, %broadcast_in_dim3A_326 : vector<16xf32>, vector<16xi32>, vector<16xf32>
        } else {
          scf.yield %cond3A_280#0, %cond3A_280#1, %cond3A_280#2 : vector<16xf32>, vector<16xi32>, vector<16xf32>
        }
        scf.yield %cond3A_305#0, %cond3A_305#1, %cond3A_305#2 : vector<16xf32>, vector<16xi32>, vector<16xf32>
      } else {
        scf.yield %scan3A_15, %scan3A_16, %scan3A_17 : vector<16xf32>, vector<16xi32>, vector<16xf32>
      }
      scf.yield %cond3A_105#0, %cond3A_105#1, %cond3A_105#2 : vector<16xf32>, vector<16xi32>, vector<16xf32>
    }
    %scan3A_10 = arith.constant 256 : i32
    %swap3A = arith.constant 0 : index
    %swap3A_11 = tpu.vector_load %arg6[%swap3A] {strides = array<i32>} : memref<16xf32, #tpu.memory_space<vmem>>, vector<16xf32>,
    tpu.vector_store %arg6[%swap3A], %scan3A_9#0 {strides = array<i32>} : memref<16xf32, #tpu.memory_space<vmem>>, vector<16xf32>,
    %swap3A_12 = arith.constant 0 : index
    %swap3A_13 = tpu.vector_load %arg7[%swap3A_12] {strides = array<i32>} : memref<16xi32, #tpu.memory_space<vmem>>, vector<16xi32>,
    tpu.vector_store %arg7[%swap3A_12], %scan3A_9#1 {strides = array<i32>} : memref<16xi32, #tpu.memory_space<vmem>>, vector<16xi32>,
    "tpu.region"() ({
      %run_scoped3A = tpu.sem_alloc : memref<!tpu.dma_semaphore, #tpu.memory_space<semaphore_mem>>
      %dma_start3A = arith.constant 0 : i32
      %dma_start3A_14 = tpu.memref_slice %arg3[%add3A, %dma_start3A] : memref<32x16xf32, #tpu.memory_space<hbm>> -> memref<1x16xf32, #tpu.memory_space<hbm>>
      %dma_start3A_15 = tpu.memref_squeeze %dma_start3A_14 : memref<1x16xf32, #tpu.memory_space<hbm>> -> memref<16xf32, #tpu.memory_space<hbm>>
      %dma_start3A_16 = arith.constant 0 : i32
      %dma_start3A_17 = tpu.memref_slice %arg3[%add3A, %dma_start3A_16] : memref<32x16xf32, #tpu.memory_space<hbm>> -> memref<1x16xf32, #tpu.memory_space<hbm>>
      %dma_start3A_18 = tpu.memref_squeeze %dma_start3A_17 : memref<1x16xf32, #tpu.memory_space<hbm>> -> memref<16xf32, #tpu.memory_space<hbm>>
      tpu.enqueue_dma source(%arg6 : memref<16xf32, #tpu.memory_space<vmem>>) target(%dma_start3A_18 : memref<16xf32, #tpu.memory_space<hbm>>) target_semaphore(%run_scoped3A : memref<!tpu.dma_semaphore, #tpu.memory_space<semaphore_mem>>)
      %dma_wait3A = arith.constant 0 : i32
      %dma_wait3A_19 = tpu.memref_slice %arg3[%add3A, %dma_wait3A] : memref<32x16xf32, #tpu.memory_space<hbm>> -> memref<1x16xf32, #tpu.memory_space<hbm>>
      %dma_wait3A_20 = tpu.memref_squeeze %dma_wait3A_19 : memref<1x16xf32, #tpu.memory_space<hbm>> -> memref<16xf32, #tpu.memory_space<hbm>>
      %dma_wait3A_21 = arith.constant 0 : i32
      %dma_wait3A_22 = tpu.memref_slice %arg3[%add3A, %dma_wait3A_21] : memref<32x16xf32, #tpu.memory_space<hbm>> -> memref<1x16xf32, #tpu.memory_space<hbm>>
      %dma_wait3A_23 = tpu.memref_squeeze %dma_wait3A_22 : memref<1x16xf32, #tpu.memory_space<hbm>> -> memref<16xf32, #tpu.memory_space<hbm>>
      tpu.wait_dma2 semaphore(%run_scoped3A : memref<!tpu.dma_semaphore, #tpu.memory_space<semaphore_mem>>) src(%arg6 : memref<16xf32, #tpu.memory_space<vmem>>) dst(%dma_wait3A_23 : memref<16xf32, #tpu.memory_space<hbm>>)
      tpu.yield
    }) : () -> ()
    "tpu.region"() ({
      %run_scoped3A = tpu.sem_alloc : memref<!tpu.dma_semaphore, #tpu.memory_space<semaphore_mem>>
      %dma_start3A = arith.constant 0 : i32
      %dma_start3A_14 = tpu.memref_slice %arg4[%add3A, %dma_start3A] : memref<32x16xi32, #tpu.memory_space<hbm>> -> memref<1x16xi32, #tpu.memory_space<hbm>>
      %dma_start3A_15 = tpu.memref_squeeze %dma_start3A_14 : memref<1x16xi32, #tpu.memory_space<hbm>> -> memref<16xi32, #tpu.memory_space<hbm>>
      %dma_start3A_16 = arith.constant 0 : i32
      %dma_start3A_17 = tpu.memref_slice %arg4[%add3A, %dma_start3A_16] : memref<32x16xi32, #tpu.memory_space<hbm>> -> memref<1x16xi32, #tpu.memory_space<hbm>>
      %dma_start3A_18 = tpu.memref_squeeze %dma_start3A_17 : memref<1x16xi32, #tpu.memory_space<hbm>> -> memref<16xi32, #tpu.memory_space<hbm>>
      tpu.enqueue_dma source(%arg7 : memref<16xi32, #tpu.memory_space<vmem>>) target(%dma_start3A_18 : memref<16xi32, #tpu.memory_space<hbm>>) target_semaphore(%run_scoped3A : memref<!tpu.dma_semaphore, #tpu.memory_space<semaphore_mem>>)
      %dma_wait3A = arith.constant 0 : i32
      %dma_wait3A_19 = tpu.memref_slice %arg4[%add3A, %dma_wait3A] : memref<32x16xi32, #tpu.memory_space<hbm>> -> memref<1x16xi32, #tpu.memory_space<hbm>>
      %dma_wait3A_20 = tpu.memref_squeeze %dma_wait3A_19 : memref<1x16xi32, #tpu.memory_space<hbm>> -> memref<16xi32, #tpu.memory_space<hbm>>
      %dma_wait3A_21 = arith.constant 0 : i32
      %dma_wait3A_22 = tpu.memref_slice %arg4[%add3A, %dma_wait3A_21] : memref<32x16xi32, #tpu.memory_space<hbm>> -> memref<1x16xi32, #tpu.memory_space<hbm>>
      %dma_wait3A_23 = tpu.memref_squeeze %dma_wait3A_22 : memref<1x16xi32, #tpu.memory_space<hbm>> -> memref<16xi32, #tpu.memory_space<hbm>>
      tpu.wait_dma2 semaphore(%run_scoped3A : memref<!tpu.dma_semaphore, #tpu.memory_space<semaphore_mem>>) src(%arg7 : memref<16xi32, #tpu.memory_space<vmem>>) dst(%dma_wait3A_23 : memref<16xi32, #tpu.memory_space<hbm>>)
      tpu.yield
    }) : () -> ()
    return
  }
}

module attributes {stable_mosaic.version = 14 : i64} {
  func.func @_feat_body(%arg0: memref<1x16384xf32, #tpu.memory_space<vmem>>, %arg1: memref<25x16384xf32, #tpu.memory_space<vmem>>, %arg2: memref<1x128xf32, #tpu.memory_space<vmem>>) attributes {dimension_semantics = [], scalar_prefetch = 0 : i64, scratch_operands = 0 : i64, tpu.core_type = #tpu.core_type<tc>} {
    %get3A = arith.constant 0 : index
    %get3A_0 = arith.constant 0 : index
    %get3A_1 = vector.load %arg0[%get3A, %get3A_0] : memref<1x16384xf32, #tpu.memory_space<vmem>>, vector<1x16384xf32>
    %get3A_2 = arith.constant 0 : index
    %get3A_3 = arith.constant 0 : index
    %get3A_4 = vector.load %arg1[%get3A_2, %get3A_3] : memref<25x16384xf32, #tpu.memory_space<vmem>>, vector<25x16384xf32>
    %reduce_sum3A = arith.constant dense<0.000000e+00> : vector<16384xf32>
    %reduce_sum3A_5 = vector.multi_reduction <add>, %get3A_4, %reduce_sum3A [0] : vector<25x16384xf32> to vector<16384xf32>
    %broadcast_in_dim3A = vector.shape_cast %reduce_sum3A_5 : vector<16384xf32> to vector<1x16384xf32>
    %div3A = arith.constant 2.500000e+01 : f32
    %div3A_6 = vector.broadcast %div3A : f32 to vector<1x16384xf32>
    %div3A_7 = arith.divf %broadcast_in_dim3A, %div3A_6 : vector<1x16384xf32>
    %sub3A = arith.subf %get3A_1, %div3A_7 : vector<1x16384xf32>
    %iota3A = tpu.iota {dimensions = array<i32: 1>} : vector<1x16384xi32>
    %iota3A_8 = tpu.iota {dimensions = array<i32: 1>} : vector<1x128xi32>
    %broadcast_in_dim3A_9 = arith.constant 0.000000e+00 : f32
    %broadcast_in_dim3A_10 = vector.broadcast %broadcast_in_dim3A_9 : f32 to vector<1x128xf32>
    %reduce_max3A = vector.shape_cast %sub3A : vector<1x16384xf32> to vector<1x1x16384xf32>
    %reduce_max3A_11 = arith.constant dense<0xFF800000> : vector<1xf32>
    %reduce_max3A_12 = vector.multi_reduction <maximumf>, %reduce_max3A, %reduce_max3A_11 [1, 2] : vector<1x1x16384xf32> to vector<1xf32>
    %reduce_max3A_13 = vector.shape_cast %reduce_max3A_12 : vector<1xf32> to vector<1x1x1xf32>
    %reduce_max3A_14 = vector.extract %reduce_max3A_13[0, 0, 0] : f32 from vector<1x1x1xf32>
    %eq3A = vector.broadcast %reduce_max3A_14 : f32 to vector<1x16384xf32>
    %eq3A_15 = arith.cmpf oeq, %sub3A, %eq3A : vector<1x16384xf32>
    %jit3A = arith.constant 1073741824 : i32
    %broadcast_in_dim3A_16 = vector.broadcast %jit3A : i32 to vector<1x16384xi32>
    %select_n3A = arith.select %eq3A_15, %iota3A, %broadcast_in_dim3A_16 : vector<1x16384xi1>, vector<1x16384xi32>
    %reduce_min3A = vector.shape_cast %select_n3A : vector<1x16384xi32> to vector<1x1x16384xi32>
    %reduce_min3A_17 = arith.constant dense<2147483647> : vector<1xi32>
    %reduce_min3A_18 = vector.multi_reduction <minsi>, %reduce_min3A, %reduce_min3A_17 [1, 2] : vector<1x1x16384xi32> to vector<1xi32>
    %reduce_min3A_19 = vector.shape_cast %reduce_min3A_18 : vector<1xi32> to vector<1x1x1xi32>
    %reduce_min3A_20 = vector.extract %reduce_min3A_19[0, 0, 0] : i32 from vector<1x1x1xi32>
    %eq3A_21 = arith.constant 0 : i32
    %eq3A_22 = vector.broadcast %eq3A_21 : i32 to vector<1x128xi32>
    %eq3A_23 = arith.cmpi eq, %iota3A_8, %eq3A_22 : vector<1x128xi32>
    %broadcast_in_dim3A_24 = vector.broadcast %reduce_max3A_14 : f32 to vector<1x128xf32>
    %select_n3A_25 = arith.select %eq3A_23, %broadcast_in_dim3A_24, %broadcast_in_dim3A_10 : vector<1x128xi1>, vector<1x128xf32>
    %eq3A_26 = arith.constant 10 : i32
    %eq3A_27 = vector.broadcast %eq3A_26 : i32 to vector<1x128xi32>
    %eq3A_28 = arith.cmpi eq, %iota3A_8, %eq3A_27 : vector<1x128xi32>
    %convert_element_type3A = arith.sitofp %reduce_min3A_20 : i32 to f32
    %mul3A = arith.constant 61.0351563 : f32
    %mul3A_29 = arith.mulf %convert_element_type3A, %mul3A : f32
    %broadcast_in_dim3A_30 = vector.broadcast %mul3A_29 : f32 to vector<1x128xf32>
    %select_n3A_31 = arith.select %eq3A_28, %broadcast_in_dim3A_30, %select_n3A_25 : vector<1x128xi1>, vector<1x128xf32>
    %eq3A_32 = vector.broadcast %reduce_min3A_20 : i32 to vector<1x16384xi32>
    %eq3A_33 = arith.cmpi eq, %iota3A, %eq3A_32 : vector<1x16384xi32>
    %jit3A_34 = arith.constant 0xFF800000 : f32
    %broadcast_in_dim3A_35 = vector.broadcast %jit3A_34 : f32 to vector<1x16384xf32>
    %select_n3A_36 = arith.select %eq3A_33, %broadcast_in_dim3A_35, %sub3A : vector<1x16384xi1>, vector<1x16384xf32>
    %reduce_max3A_37 = vector.shape_cast %select_n3A_36 : vector<1x16384xf32> to vector<1x1x16384xf32>
    %reduce_max3A_38 = arith.constant dense<0xFF800000> : vector<1xf32>
    %reduce_max3A_39 = vector.multi_reduction <maximumf>, %reduce_max3A_37, %reduce_max3A_38 [1, 2] : vector<1x1x16384xf32> to vector<1xf32>
    %reduce_max3A_40 = vector.shape_cast %reduce_max3A_39 : vector<1xf32> to vector<1x1x1xf32>
    %reduce_max3A_41 = vector.extract %reduce_max3A_40[0, 0, 0] : f32 from vector<1x1x1xf32>
    %eq3A_42 = vector.broadcast %reduce_max3A_41 : f32 to vector<1x16384xf32>
    %eq3A_43 = arith.cmpf oeq, %select_n3A_36, %eq3A_42 : vector<1x16384xf32>
    %jit3A_44 = arith.constant 1073741824 : i32
    %broadcast_in_dim3A_45 = vector.broadcast %jit3A_44 : i32 to vector<1x16384xi32>
    %select_n3A_46 = arith.select %eq3A_43, %iota3A, %broadcast_in_dim3A_45 : vector<1x16384xi1>, vector<1x16384xi32>
    %reduce_min3A_47 = vector.shape_cast %select_n3A_46 : vector<1x16384xi32> to vector<1x1x16384xi32>
    %reduce_min3A_48 = arith.constant dense<2147483647> : vector<1xi32>
    %reduce_min3A_49 = vector.multi_reduction <minsi>, %reduce_min3A_47, %reduce_min3A_48 [1, 2] : vector<1x1x16384xi32> to vector<1xi32>
    %reduce_min3A_50 = vector.shape_cast %reduce_min3A_49 : vector<1xi32> to vector<1x1x1xi32>
    %reduce_min3A_51 = vector.extract %reduce_min3A_50[0, 0, 0] : i32 from vector<1x1x1xi32>
    %eq3A_52 = arith.constant 1 : i32
    %eq3A_53 = vector.broadcast %eq3A_52 : i32 to vector<1x128xi32>
    %eq3A_54 = arith.cmpi eq, %iota3A_8, %eq3A_53 : vector<1x128xi32>
    %broadcast_in_dim3A_55 = vector.broadcast %reduce_max3A_41 : f32 to vector<1x128xf32>
    %select_n3A_56 = arith.select %eq3A_54, %broadcast_in_dim3A_55, %select_n3A_31 : vector<1x128xi1>, vector<1x128xf32>
    %eq3A_57 = arith.constant 11 : i32
    %eq3A_58 = vector.broadcast %eq3A_57 : i32 to vector<1x128xi32>
    %eq3A_59 = arith.cmpi eq, %iota3A_8, %eq3A_58 : vector<1x128xi32>
    %convert_element_type3A_60 = arith.sitofp %reduce_min3A_51 : i32 to f32
    %mul3A_61 = arith.constant 61.0351563 : f32
    %mul3A_62 = arith.mulf %convert_element_type3A_60, %mul3A_61 : f32
    %broadcast_in_dim3A_63 = vector.broadcast %mul3A_62 : f32 to vector<1x128xf32>
    %select_n3A_64 = arith.select %eq3A_59, %broadcast_in_dim3A_63, %select_n3A_56 : vector<1x128xi1>, vector<1x128xf32>
    %eq3A_65 = vector.broadcast %reduce_min3A_51 : i32 to vector<1x16384xi32>
    %eq3A_66 = arith.cmpi eq, %iota3A, %eq3A_65 : vector<1x16384xi32>
    %jit3A_67 = arith.constant 0xFF800000 : f32
    %broadcast_in_dim3A_68 = vector.broadcast %jit3A_67 : f32 to vector<1x16384xf32>
    %select_n3A_69 = arith.select %eq3A_66, %broadcast_in_dim3A_68, %select_n3A_36 : vector<1x16384xi1>, vector<1x16384xf32>
    %reduce_max3A_70 = vector.shape_cast %select_n3A_69 : vector<1x16384xf32> to vector<1x1x16384xf32>
    %reduce_max3A_71 = arith.constant dense<0xFF800000> : vector<1xf32>
    %reduce_max3A_72 = vector.multi_reduction <maximumf>, %reduce_max3A_70, %reduce_max3A_71 [1, 2] : vector<1x1x16384xf32> to vector<1xf32>
    %reduce_max3A_73 = vector.shape_cast %reduce_max3A_72 : vector<1xf32> to vector<1x1x1xf32>
    %reduce_max3A_74 = vector.extract %reduce_max3A_73[0, 0, 0] : f32 from vector<1x1x1xf32>
    %eq3A_75 = vector.broadcast %reduce_max3A_74 : f32 to vector<1x16384xf32>
    %eq3A_76 = arith.cmpf oeq, %select_n3A_69, %eq3A_75 : vector<1x16384xf32>
    %jit3A_77 = arith.constant 1073741824 : i32
    %broadcast_in_dim3A_78 = vector.broadcast %jit3A_77 : i32 to vector<1x16384xi32>
    %select_n3A_79 = arith.select %eq3A_76, %iota3A, %broadcast_in_dim3A_78 : vector<1x16384xi1>, vector<1x16384xi32>
    %reduce_min3A_80 = vector.shape_cast %select_n3A_79 : vector<1x16384xi32> to vector<1x1x16384xi32>
    %reduce_min3A_81 = arith.constant dense<2147483647> : vector<1xi32>
    %reduce_min3A_82 = vector.multi_reduction <minsi>, %reduce_min3A_80, %reduce_min3A_81 [1, 2] : vector<1x1x16384xi32> to vector<1xi32>
    %reduce_min3A_83 = vector.shape_cast %reduce_min3A_82 : vector<1xi32> to vector<1x1x1xi32>
    %reduce_min3A_84 = vector.extract %reduce_min3A_83[0, 0, 0] : i32 from vector<1x1x1xi32>
    %eq3A_85 = arith.constant 2 : i32
    %eq3A_86 = vector.broadcast %eq3A_85 : i32 to vector<1x128xi32>
    %eq3A_87 = arith.cmpi eq, %iota3A_8, %eq3A_86 : vector<1x128xi32>
    %broadcast_in_dim3A_88 = vector.broadcast %reduce_max3A_74 : f32 to vector<1x128xf32>
    %select_n3A_89 = arith.select %eq3A_87, %broadcast_in_dim3A_88, %select_n3A_64 : vector<1x128xi1>, vector<1x128xf32>
    %eq3A_90 = arith.constant 12 : i32
    %eq3A_91 = vector.broadcast %eq3A_90 : i32 to vector<1x128xi32>
    %eq3A_92 = arith.cmpi eq, %iota3A_8, %eq3A_91 : vector<1x128xi32>
    %convert_element_type3A_93 = arith.sitofp %reduce_min3A_84 : i32 to f32
    %mul3A_94 = arith.constant 61.0351563 : f32
    %mul3A_95 = arith.mulf %convert_element_type3A_93, %mul3A_94 : f32
    %broadcast_in_dim3A_96 = vector.broadcast %mul3A_95 : f32 to vector<1x128xf32>
    %select_n3A_97 = arith.select %eq3A_92, %broadcast_in_dim3A_96, %select_n3A_89 : vector<1x128xi1>, vector<1x128xf32>
    %eq3A_98 = vector.broadcast %reduce_min3A_84 : i32 to vector<1x16384xi32>
    %eq3A_99 = arith.cmpi eq, %iota3A, %eq3A_98 : vector<1x16384xi32>
    %jit3A_100 = arith.constant 0xFF800000 : f32
    %broadcast_in_dim3A_101 = vector.broadcast %jit3A_100 : f32 to vector<1x16384xf32>
    %select_n3A_102 = arith.select %eq3A_99, %broadcast_in_dim3A_101, %select_n3A_69 : vector<1x16384xi1>, vector<1x16384xf32>
    %reduce_max3A_103 = vector.shape_cast %select_n3A_102 : vector<1x16384xf32> to vector<1x1x16384xf32>
    %reduce_max3A_104 = arith.constant dense<0xFF800000> : vector<1xf32>
    %reduce_max3A_105 = vector.multi_reduction <maximumf>, %reduce_max3A_103, %reduce_max3A_104 [1, 2] : vector<1x1x16384xf32> to vector<1xf32>
    %reduce_max3A_106 = vector.shape_cast %reduce_max3A_105 : vector<1xf32> to vector<1x1x1xf32>
    %reduce_max3A_107 = vector.extract %reduce_max3A_106[0, 0, 0] : f32 from vector<1x1x1xf32>
    %eq3A_108 = vector.broadcast %reduce_max3A_107 : f32 to vector<1x16384xf32>
    %eq3A_109 = arith.cmpf oeq, %select_n3A_102, %eq3A_108 : vector<1x16384xf32>
    %jit3A_110 = arith.constant 1073741824 : i32
    %broadcast_in_dim3A_111 = vector.broadcast %jit3A_110 : i32 to vector<1x16384xi32>
    %select_n3A_112 = arith.select %eq3A_109, %iota3A, %broadcast_in_dim3A_111 : vector<1x16384xi1>, vector<1x16384xi32>
    %reduce_min3A_113 = vector.shape_cast %select_n3A_112 : vector<1x16384xi32> to vector<1x1x16384xi32>
    %reduce_min3A_114 = arith.constant dense<2147483647> : vector<1xi32>
    %reduce_min3A_115 = vector.multi_reduction <minsi>, %reduce_min3A_113, %reduce_min3A_114 [1, 2] : vector<1x1x16384xi32> to vector<1xi32>
    %reduce_min3A_116 = vector.shape_cast %reduce_min3A_115 : vector<1xi32> to vector<1x1x1xi32>
    %reduce_min3A_117 = vector.extract %reduce_min3A_116[0, 0, 0] : i32 from vector<1x1x1xi32>
    %eq3A_118 = arith.constant 3 : i32
    %eq3A_119 = vector.broadcast %eq3A_118 : i32 to vector<1x128xi32>
    %eq3A_120 = arith.cmpi eq, %iota3A_8, %eq3A_119 : vector<1x128xi32>
    %broadcast_in_dim3A_121 = vector.broadcast %reduce_max3A_107 : f32 to vector<1x128xf32>
    %select_n3A_122 = arith.select %eq3A_120, %broadcast_in_dim3A_121, %select_n3A_97 : vector<1x128xi1>, vector<1x128xf32>
    %eq3A_123 = arith.constant 13 : i32
    %eq3A_124 = vector.broadcast %eq3A_123 : i32 to vector<1x128xi32>
    %eq3A_125 = arith.cmpi eq, %iota3A_8, %eq3A_124 : vector<1x128xi32>
    %convert_element_type3A_126 = arith.sitofp %reduce_min3A_117 : i32 to f32
    %mul3A_127 = arith.constant 61.0351563 : f32
    %mul3A_128 = arith.mulf %convert_element_type3A_126, %mul3A_127 : f32
    %broadcast_in_dim3A_129 = vector.broadcast %mul3A_128 : f32 to vector<1x128xf32>
    %select_n3A_130 = arith.select %eq3A_125, %broadcast_in_dim3A_129, %select_n3A_122 : vector<1x128xi1>, vector<1x128xf32>
    %eq3A_131 = vector.broadcast %reduce_min3A_117 : i32 to vector<1x16384xi32>
    %eq3A_132 = arith.cmpi eq, %iota3A, %eq3A_131 : vector<1x16384xi32>
    %jit3A_133 = arith.constant 0xFF800000 : f32
    %broadcast_in_dim3A_134 = vector.broadcast %jit3A_133 : f32 to vector<1x16384xf32>
    %select_n3A_135 = arith.select %eq3A_132, %broadcast_in_dim3A_134, %select_n3A_102 : vector<1x16384xi1>, vector<1x16384xf32>
    %reduce_max3A_136 = vector.shape_cast %select_n3A_135 : vector<1x16384xf32> to vector<1x1x16384xf32>
    %reduce_max3A_137 = arith.constant dense<0xFF800000> : vector<1xf32>
    %reduce_max3A_138 = vector.multi_reduction <maximumf>, %reduce_max3A_136, %reduce_max3A_137 [1, 2] : vector<1x1x16384xf32> to vector<1xf32>
    %reduce_max3A_139 = vector.shape_cast %reduce_max3A_138 : vector<1xf32> to vector<1x1x1xf32>
    %reduce_max3A_140 = vector.extract %reduce_max3A_139[0, 0, 0] : f32 from vector<1x1x1xf32>
    %eq3A_141 = vector.broadcast %reduce_max3A_140 : f32 to vector<1x16384xf32>
    %eq3A_142 = arith.cmpf oeq, %select_n3A_135, %eq3A_141 : vector<1x16384xf32>
    %jit3A_143 = arith.constant 1073741824 : i32
    %broadcast_in_dim3A_144 = vector.broadcast %jit3A_143 : i32 to vector<1x16384xi32>
    %select_n3A_145 = arith.select %eq3A_142, %iota3A, %broadcast_in_dim3A_144 : vector<1x16384xi1>, vector<1x16384xi32>
    %reduce_min3A_146 = vector.shape_cast %select_n3A_145 : vector<1x16384xi32> to vector<1x1x16384xi32>
    %reduce_min3A_147 = arith.constant dense<2147483647> : vector<1xi32>
    %reduce_min3A_148 = vector.multi_reduction <minsi>, %reduce_min3A_146, %reduce_min3A_147 [1, 2] : vector<1x1x16384xi32> to vector<1xi32>
    %reduce_min3A_149 = vector.shape_cast %reduce_min3A_148 : vector<1xi32> to vector<1x1x1xi32>
    %reduce_min3A_150 = vector.extract %reduce_min3A_149[0, 0, 0] : i32 from vector<1x1x1xi32>
    %eq3A_151 = arith.constant 4 : i32
    %eq3A_152 = vector.broadcast %eq3A_151 : i32 to vector<1x128xi32>
    %eq3A_153 = arith.cmpi eq, %iota3A_8, %eq3A_152 : vector<1x128xi32>
    %broadcast_in_dim3A_154 = vector.broadcast %reduce_max3A_140 : f32 to vector<1x128xf32>
    %select_n3A_155 = arith.select %eq3A_153, %broadcast_in_dim3A_154, %select_n3A_130 : vector<1x128xi1>, vector<1x128xf32>
    %eq3A_156 = arith.constant 14 : i32
    %eq3A_157 = vector.broadcast %eq3A_156 : i32 to vector<1x128xi32>
    %eq3A_158 = arith.cmpi eq, %iota3A_8, %eq3A_157 : vector<1x128xi32>
    %convert_element_type3A_159 = arith.sitofp %reduce_min3A_150 : i32 to f32
    %mul3A_160 = arith.constant 61.0351563 : f32
    %mul3A_161 = arith.mulf %convert_element_type3A_159, %mul3A_160 : f32
    %broadcast_in_dim3A_162 = vector.broadcast %mul3A_161 : f32 to vector<1x128xf32>
    %select_n3A_163 = arith.select %eq3A_158, %broadcast_in_dim3A_162, %select_n3A_155 : vector<1x128xi1>, vector<1x128xf32>
    %eq3A_164 = vector.broadcast %reduce_min3A_150 : i32 to vector<1x16384xi32>
    %eq3A_165 = arith.cmpi eq, %iota3A, %eq3A_164 : vector<1x16384xi32>
    %jit3A_166 = arith.constant 0xFF800000 : f32
    %broadcast_in_dim3A_167 = vector.broadcast %jit3A_166 : f32 to vector<1x16384xf32>
    %select_n3A_168 = arith.select %eq3A_165, %broadcast_in_dim3A_167, %select_n3A_135 : vector<1x16384xi1>, vector<1x16384xf32>
    %reduce_max3A_169 = vector.shape_cast %select_n3A_168 : vector<1x16384xf32> to vector<1x1x16384xf32>
    %reduce_max3A_170 = arith.constant dense<0xFF800000> : vector<1xf32>
    %reduce_max3A_171 = vector.multi_reduction <maximumf>, %reduce_max3A_169, %reduce_max3A_170 [1, 2] : vector<1x1x16384xf32> to vector<1xf32>
    %reduce_max3A_172 = vector.shape_cast %reduce_max3A_171 : vector<1xf32> to vector<1x1x1xf32>
    %reduce_max3A_173 = vector.extract %reduce_max3A_172[0, 0, 0] : f32 from vector<1x1x1xf32>
    %eq3A_174 = vector.broadcast %reduce_max3A_173 : f32 to vector<1x16384xf32>
    %eq3A_175 = arith.cmpf oeq, %select_n3A_168, %eq3A_174 : vector<1x16384xf32>
    %jit3A_176 = arith.constant 1073741824 : i32
    %broadcast_in_dim3A_177 = vector.broadcast %jit3A_176 : i32 to vector<1x16384xi32>
    %select_n3A_178 = arith.select %eq3A_175, %iota3A, %broadcast_in_dim3A_177 : vector<1x16384xi1>, vector<1x16384xi32>
    %reduce_min3A_179 = vector.shape_cast %select_n3A_178 : vector<1x16384xi32> to vector<1x1x16384xi32>
    %reduce_min3A_180 = arith.constant dense<2147483647> : vector<1xi32>
    %reduce_min3A_181 = vector.multi_reduction <minsi>, %reduce_min3A_179, %reduce_min3A_180 [1, 2] : vector<1x1x16384xi32> to vector<1xi32>
    %reduce_min3A_182 = vector.shape_cast %reduce_min3A_181 : vector<1xi32> to vector<1x1x1xi32>
    %reduce_min3A_183 = vector.extract %reduce_min3A_182[0, 0, 0] : i32 from vector<1x1x1xi32>
    %eq3A_184 = arith.constant 5 : i32
    %eq3A_185 = vector.broadcast %eq3A_184 : i32 to vector<1x128xi32>
    %eq3A_186 = arith.cmpi eq, %iota3A_8, %eq3A_185 : vector<1x128xi32>
    %broadcast_in_dim3A_187 = vector.broadcast %reduce_max3A_173 : f32 to vector<1x128xf32>
    %select_n3A_188 = arith.select %eq3A_186, %broadcast_in_dim3A_187, %select_n3A_163 : vector<1x128xi1>, vector<1x128xf32>
    %eq3A_189 = arith.constant 15 : i32
    %eq3A_190 = vector.broadcast %eq3A_189 : i32 to vector<1x128xi32>
    %eq3A_191 = arith.cmpi eq, %iota3A_8, %eq3A_190 : vector<1x128xi32>
    %convert_element_type3A_192 = arith.sitofp %reduce_min3A_183 : i32 to f32
    %mul3A_193 = arith.constant 61.0351563 : f32
    %mul3A_194 = arith.mulf %convert_element_type3A_192, %mul3A_193 : f32
    %broadcast_in_dim3A_195 = vector.broadcast %mul3A_194 : f32 to vector<1x128xf32>
    %select_n3A_196 = arith.select %eq3A_191, %broadcast_in_dim3A_195, %select_n3A_188 : vector<1x128xi1>, vector<1x128xf32>
    %eq3A_197 = vector.broadcast %reduce_min3A_183 : i32 to vector<1x16384xi32>
    %eq3A_198 = arith.cmpi eq, %iota3A, %eq3A_197 : vector<1x16384xi32>
    %jit3A_199 = arith.constant 0xFF800000 : f32
    %broadcast_in_dim3A_200 = vector.broadcast %jit3A_199 : f32 to vector<1x16384xf32>
    %select_n3A_201 = arith.select %eq3A_198, %broadcast_in_dim3A_200, %select_n3A_168 : vector<1x16384xi1>, vector<1x16384xf32>
    %reduce_max3A_202 = vector.shape_cast %select_n3A_201 : vector<1x16384xf32> to vector<1x1x16384xf32>
    %reduce_max3A_203 = arith.constant dense<0xFF800000> : vector<1xf32>
    %reduce_max3A_204 = vector.multi_reduction <maximumf>, %reduce_max3A_202, %reduce_max3A_203 [1, 2] : vector<1x1x16384xf32> to vector<1xf32>
    %reduce_max3A_205 = vector.shape_cast %reduce_max3A_204 : vector<1xf32> to vector<1x1x1xf32>
    %reduce_max3A_206 = vector.extract %reduce_max3A_205[0, 0, 0] : f32 from vector<1x1x1xf32>
    %eq3A_207 = vector.broadcast %reduce_max3A_206 : f32 to vector<1x16384xf32>
    %eq3A_208 = arith.cmpf oeq, %select_n3A_201, %eq3A_207 : vector<1x16384xf32>
    %jit3A_209 = arith.constant 1073741824 : i32
    %broadcast_in_dim3A_210 = vector.broadcast %jit3A_209 : i32 to vector<1x16384xi32>
    %select_n3A_211 = arith.select %eq3A_208, %iota3A, %broadcast_in_dim3A_210 : vector<1x16384xi1>, vector<1x16384xi32>
    %reduce_min3A_212 = vector.shape_cast %select_n3A_211 : vector<1x16384xi32> to vector<1x1x16384xi32>
    %reduce_min3A_213 = arith.constant dense<2147483647> : vector<1xi32>
    %reduce_min3A_214 = vector.multi_reduction <minsi>, %reduce_min3A_212, %reduce_min3A_213 [1, 2] : vector<1x1x16384xi32> to vector<1xi32>
    %reduce_min3A_215 = vector.shape_cast %reduce_min3A_214 : vector<1xi32> to vector<1x1x1xi32>
    %reduce_min3A_216 = vector.extract %reduce_min3A_215[0, 0, 0] : i32 from vector<1x1x1xi32>
    %eq3A_217 = arith.constant 6 : i32
    %eq3A_218 = vector.broadcast %eq3A_217 : i32 to vector<1x128xi32>
    %eq3A_219 = arith.cmpi eq, %iota3A_8, %eq3A_218 : vector<1x128xi32>
    %broadcast_in_dim3A_220 = vector.broadcast %reduce_max3A_206 : f32 to vector<1x128xf32>
    %select_n3A_221 = arith.select %eq3A_219, %broadcast_in_dim3A_220, %select_n3A_196 : vector<1x128xi1>, vector<1x128xf32>
    %eq3A_222 = arith.constant 16 : i32
    %eq3A_223 = vector.broadcast %eq3A_222 : i32 to vector<1x128xi32>
    %eq3A_224 = arith.cmpi eq, %iota3A_8, %eq3A_223 : vector<1x128xi32>
    %convert_element_type3A_225 = arith.sitofp %reduce_min3A_216 : i32 to f32
    %mul3A_226 = arith.constant 61.0351563 : f32
    %mul3A_227 = arith.mulf %convert_element_type3A_225, %mul3A_226 : f32
    %broadcast_in_dim3A_228 = vector.broadcast %mul3A_227 : f32 to vector<1x128xf32>
    %select_n3A_229 = arith.select %eq3A_224, %broadcast_in_dim3A_228, %select_n3A_221 : vector<1x128xi1>, vector<1x128xf32>
    %eq3A_230 = vector.broadcast %reduce_min3A_216 : i32 to vector<1x16384xi32>
    %eq3A_231 = arith.cmpi eq, %iota3A, %eq3A_230 : vector<1x16384xi32>
    %jit3A_232 = arith.constant 0xFF800000 : f32
    %broadcast_in_dim3A_233 = vector.broadcast %jit3A_232 : f32 to vector<1x16384xf32>
    %select_n3A_234 = arith.select %eq3A_231, %broadcast_in_dim3A_233, %select_n3A_201 : vector<1x16384xi1>, vector<1x16384xf32>
    %reduce_max3A_235 = vector.shape_cast %select_n3A_234 : vector<1x16384xf32> to vector<1x1x16384xf32>
    %reduce_max3A_236 = arith.constant dense<0xFF800000> : vector<1xf32>
    %reduce_max3A_237 = vector.multi_reduction <maximumf>, %reduce_max3A_235, %reduce_max3A_236 [1, 2] : vector<1x1x16384xf32> to vector<1xf32>
    %reduce_max3A_238 = vector.shape_cast %reduce_max3A_237 : vector<1xf32> to vector<1x1x1xf32>
    %reduce_max3A_239 = vector.extract %reduce_max3A_238[0, 0, 0] : f32 from vector<1x1x1xf32>
    %eq3A_240 = vector.broadcast %reduce_max3A_239 : f32 to vector<1x16384xf32>
    %eq3A_241 = arith.cmpf oeq, %select_n3A_234, %eq3A_240 : vector<1x16384xf32>
    %jit3A_242 = arith.constant 1073741824 : i32
    %broadcast_in_dim3A_243 = vector.broadcast %jit3A_242 : i32 to vector<1x16384xi32>
    %select_n3A_244 = arith.select %eq3A_241, %iota3A, %broadcast_in_dim3A_243 : vector<1x16384xi1>, vector<1x16384xi32>
    %reduce_min3A_245 = vector.shape_cast %select_n3A_244 : vector<1x16384xi32> to vector<1x1x16384xi32>
    %reduce_min3A_246 = arith.constant dense<2147483647> : vector<1xi32>
    %reduce_min3A_247 = vector.multi_reduction <minsi>, %reduce_min3A_245, %reduce_min3A_246 [1, 2] : vector<1x1x16384xi32> to vector<1xi32>
    %reduce_min3A_248 = vector.shape_cast %reduce_min3A_247 : vector<1xi32> to vector<1x1x1xi32>
    %reduce_min3A_249 = vector.extract %reduce_min3A_248[0, 0, 0] : i32 from vector<1x1x1xi32>
    %eq3A_250 = arith.constant 7 : i32
    %eq3A_251 = vector.broadcast %eq3A_250 : i32 to vector<1x128xi32>
    %eq3A_252 = arith.cmpi eq, %iota3A_8, %eq3A_251 : vector<1x128xi32>
    %broadcast_in_dim3A_253 = vector.broadcast %reduce_max3A_239 : f32 to vector<1x128xf32>
    %select_n3A_254 = arith.select %eq3A_252, %broadcast_in_dim3A_253, %select_n3A_229 : vector<1x128xi1>, vector<1x128xf32>
    %eq3A_255 = arith.constant 17 : i32
    %eq3A_256 = vector.broadcast %eq3A_255 : i32 to vector<1x128xi32>
    %eq3A_257 = arith.cmpi eq, %iota3A_8, %eq3A_256 : vector<1x128xi32>
    %convert_element_type3A_258 = arith.sitofp %reduce_min3A_249 : i32 to f32
    %mul3A_259 = arith.constant 61.0351563 : f32
    %mul3A_260 = arith.mulf %convert_element_type3A_258, %mul3A_259 : f32
    %broadcast_in_dim3A_261 = vector.broadcast %mul3A_260 : f32 to vector<1x128xf32>
    %select_n3A_262 = arith.select %eq3A_257, %broadcast_in_dim3A_261, %select_n3A_254 : vector<1x128xi1>, vector<1x128xf32>
    %eq3A_263 = vector.broadcast %reduce_min3A_249 : i32 to vector<1x16384xi32>
    %eq3A_264 = arith.cmpi eq, %iota3A, %eq3A_263 : vector<1x16384xi32>
    %jit3A_265 = arith.constant 0xFF800000 : f32
    %broadcast_in_dim3A_266 = vector.broadcast %jit3A_265 : f32 to vector<1x16384xf32>
    %select_n3A_267 = arith.select %eq3A_264, %broadcast_in_dim3A_266, %select_n3A_234 : vector<1x16384xi1>, vector<1x16384xf32>
    %reduce_max3A_268 = vector.shape_cast %select_n3A_267 : vector<1x16384xf32> to vector<1x1x16384xf32>
    %reduce_max3A_269 = arith.constant dense<0xFF800000> : vector<1xf32>
    %reduce_max3A_270 = vector.multi_reduction <maximumf>, %reduce_max3A_268, %reduce_max3A_269 [1, 2] : vector<1x1x16384xf32> to vector<1xf32>
    %reduce_max3A_271 = vector.shape_cast %reduce_max3A_270 : vector<1xf32> to vector<1x1x1xf32>
    %reduce_max3A_272 = vector.extract %reduce_max3A_271[0, 0, 0] : f32 from vector<1x1x1xf32>
    %eq3A_273 = vector.broadcast %reduce_max3A_272 : f32 to vector<1x16384xf32>
    %eq3A_274 = arith.cmpf oeq, %select_n3A_267, %eq3A_273 : vector<1x16384xf32>
    %jit3A_275 = arith.constant 1073741824 : i32
    %broadcast_in_dim3A_276 = vector.broadcast %jit3A_275 : i32 to vector<1x16384xi32>
    %select_n3A_277 = arith.select %eq3A_274, %iota3A, %broadcast_in_dim3A_276 : vector<1x16384xi1>, vector<1x16384xi32>
    %reduce_min3A_278 = vector.shape_cast %select_n3A_277 : vector<1x16384xi32> to vector<1x1x16384xi32>
    %reduce_min3A_279 = arith.constant dense<2147483647> : vector<1xi32>
    %reduce_min3A_280 = vector.multi_reduction <minsi>, %reduce_min3A_278, %reduce_min3A_279 [1, 2] : vector<1x1x16384xi32> to vector<1xi32>
    %reduce_min3A_281 = vector.shape_cast %reduce_min3A_280 : vector<1xi32> to vector<1x1x1xi32>
    %reduce_min3A_282 = vector.extract %reduce_min3A_281[0, 0, 0] : i32 from vector<1x1x1xi32>
    %eq3A_283 = arith.constant 8 : i32
    %eq3A_284 = vector.broadcast %eq3A_283 : i32 to vector<1x128xi32>
    %eq3A_285 = arith.cmpi eq, %iota3A_8, %eq3A_284 : vector<1x128xi32>
    %broadcast_in_dim3A_286 = vector.broadcast %reduce_max3A_272 : f32 to vector<1x128xf32>
    %select_n3A_287 = arith.select %eq3A_285, %broadcast_in_dim3A_286, %select_n3A_262 : vector<1x128xi1>, vector<1x128xf32>
    %eq3A_288 = arith.constant 18 : i32
    %eq3A_289 = vector.broadcast %eq3A_288 : i32 to vector<1x128xi32>
    %eq3A_290 = arith.cmpi eq, %iota3A_8, %eq3A_289 : vector<1x128xi32>
    %convert_element_type3A_291 = arith.sitofp %reduce_min3A_282 : i32 to f32
    %mul3A_292 = arith.constant 61.0351563 : f32
    %mul3A_293 = arith.mulf %convert_element_type3A_291, %mul3A_292 : f32
    %broadcast_in_dim3A_294 = vector.broadcast %mul3A_293 : f32 to vector<1x128xf32>
    %select_n3A_295 = arith.select %eq3A_290, %broadcast_in_dim3A_294, %select_n3A_287 : vector<1x128xi1>, vector<1x128xf32>
    %eq3A_296 = vector.broadcast %reduce_min3A_282 : i32 to vector<1x16384xi32>
    %eq3A_297 = arith.cmpi eq, %iota3A, %eq3A_296 : vector<1x16384xi32>
    %jit3A_298 = arith.constant 0xFF800000 : f32
    %broadcast_in_dim3A_299 = vector.broadcast %jit3A_298 : f32 to vector<1x16384xf32>
    %select_n3A_300 = arith.select %eq3A_297, %broadcast_in_dim3A_299, %select_n3A_267 : vector<1x16384xi1>, vector<1x16384xf32>
    %reduce_max3A_301 = vector.shape_cast %select_n3A_300 : vector<1x16384xf32> to vector<1x1x16384xf32>
    %reduce_max3A_302 = arith.constant dense<0xFF800000> : vector<1xf32>
    %reduce_max3A_303 = vector.multi_reduction <maximumf>, %reduce_max3A_301, %reduce_max3A_302 [1, 2] : vector<1x1x16384xf32> to vector<1xf32>
    %reduce_max3A_304 = vector.shape_cast %reduce_max3A_303 : vector<1xf32> to vector<1x1x1xf32>
    %reduce_max3A_305 = vector.extract %reduce_max3A_304[0, 0, 0] : f32 from vector<1x1x1xf32>
    %eq3A_306 = vector.broadcast %reduce_max3A_305 : f32 to vector<1x16384xf32>
    %eq3A_307 = arith.cmpf oeq, %select_n3A_300, %eq3A_306 : vector<1x16384xf32>
    %jit3A_308 = arith.constant 1073741824 : i32
    %broadcast_in_dim3A_309 = vector.broadcast %jit3A_308 : i32 to vector<1x16384xi32>
    %select_n3A_310 = arith.select %eq3A_307, %iota3A, %broadcast_in_dim3A_309 : vector<1x16384xi1>, vector<1x16384xi32>
    %reduce_min3A_311 = vector.shape_cast %select_n3A_310 : vector<1x16384xi32> to vector<1x1x16384xi32>
    %reduce_min3A_312 = arith.constant dense<2147483647> : vector<1xi32>
    %reduce_min3A_313 = vector.multi_reduction <minsi>, %reduce_min3A_311, %reduce_min3A_312 [1, 2] : vector<1x1x16384xi32> to vector<1xi32>
    %reduce_min3A_314 = vector.shape_cast %reduce_min3A_313 : vector<1xi32> to vector<1x1x1xi32>
    %reduce_min3A_315 = vector.extract %reduce_min3A_314[0, 0, 0] : i32 from vector<1x1x1xi32>
    %eq3A_316 = arith.constant 9 : i32
    %eq3A_317 = vector.broadcast %eq3A_316 : i32 to vector<1x128xi32>
    %eq3A_318 = arith.cmpi eq, %iota3A_8, %eq3A_317 : vector<1x128xi32>
    %broadcast_in_dim3A_319 = vector.broadcast %reduce_max3A_305 : f32 to vector<1x128xf32>
    %select_n3A_320 = arith.select %eq3A_318, %broadcast_in_dim3A_319, %select_n3A_295 : vector<1x128xi1>, vector<1x128xf32>
    %eq3A_321 = arith.constant 19 : i32
    %eq3A_322 = vector.broadcast %eq3A_321 : i32 to vector<1x128xi32>
    %eq3A_323 = arith.cmpi eq, %iota3A_8, %eq3A_322 : vector<1x128xi32>
    %convert_element_type3A_324 = arith.sitofp %reduce_min3A_315 : i32 to f32
    %mul3A_325 = arith.constant 61.0351563 : f32
    %mul3A_326 = arith.mulf %convert_element_type3A_324, %mul3A_325 : f32
    %broadcast_in_dim3A_327 = vector.broadcast %mul3A_326 : f32 to vector<1x128xf32>
    %select_n3A_328 = arith.select %eq3A_323, %broadcast_in_dim3A_327, %select_n3A_320 : vector<1x128xi1>, vector<1x128xf32>
    %swap3A = arith.constant 0 : index
    %swap3A_329 = arith.constant 0 : index
    %swap3A_330 = vector.load %arg2[%swap3A, %swap3A_329] : memref<1x128xf32, #tpu.memory_space<vmem>>, vector<1x128xf32>
    tpu.vector_store %arg2[%swap3A, %swap3A_329], %select_n3A_328 {strides = array<i32>} : memref<1x128xf32, #tpu.memory_space<vmem>>, vector<1x128xf32>,
    return
  }
}

module attributes {stable_mosaic.version = 14 : i64} {
  func.func @_dist_body(%arg0: i32, %arg1: memref<20x1xf32, #tpu.memory_space<vmem>>, %arg2: memref<20x65536xf32, #tpu.memory_space<vmem>>, %arg3: memref<65536xf32, #tpu.memory_space<vmem>>) attributes {dimension_semantics = [#tpu.dimension_semantics<arbitrary>], iteration_bounds = array<i64: 16>, scalar_prefetch = 0 : i64, scratch_operands = 0 : i64, tpu.core_type = #tpu.core_type<tc>, window_params = [{pipeline_mode = #tpu.pipeline_mode<synchronous>, transform_indices = @transform_0, window_bounds = array<i64: 20, 1>}, {transform_indices = @transform_1, window_bounds = array<i64: 20, 65536>}, {transform_indices = @transform_2, window_bounds = array<i64: 65536>}]} {
    %get3A = arith.constant 0 : index
    %get3A_0 = arith.constant 0 : index
    %get3A_1 = vector.load %arg2[%get3A, %get3A_0] : memref<20x65536xf32, #tpu.memory_space<vmem>>, vector<20x65536xf32>
    %get3A_2 = arith.constant 0 : index
    %get3A_3 = arith.constant 0 : index
    %get3A_4 = vector.load %arg1[%get3A_2, %get3A_3] : memref<20x1xf32, #tpu.memory_space<vmem>>, vector<20x1xf32>
    %sub3A = vector.broadcast %get3A_4 : vector<20x1xf32> to vector<20x65536xf32>
    %sub3A_5 = arith.subf %get3A_1, %sub3A : vector<20x65536xf32>
    %mul3A = arith.mulf %sub3A_5, %sub3A_5 : vector<20x65536xf32>
    %slice3A = vector.extract_strided_slice %mul3A {offsets = [0, 0], sizes = [8, 65536], strides = [1, 1]} : vector<20x65536xf32> to vector<8x65536xf32>
    %slice3A_6 = vector.extract_strided_slice %mul3A {offsets = [8, 0], sizes = [8, 65536], strides = [1, 1]} : vector<20x65536xf32> to vector<8x65536xf32>
    %add3A = arith.addf %slice3A, %slice3A_6 : vector<8x65536xf32>
    %slice3A_7 = vector.extract_strided_slice %mul3A {offsets = [16, 0], sizes = [4, 65536], strides = [1, 1]} : vector<20x65536xf32> to vector<4x65536xf32>
    %broadcast_in_dim3A = arith.constant 0.000000e+00 : f32
    %broadcast_in_dim3A_8 = vector.broadcast %broadcast_in_dim3A : f32 to vector<4x65536xf32>
    %concatenate3A = tpu.concatenate %slice3A_7, %broadcast_in_dim3A_8 in 0 : vector<4x65536xf32>, vector<4x65536xf32> -> vector<8x65536xf32>
    %add3A_9 = arith.addf %add3A, %concatenate3A : vector<8x65536xf32>
    %slice3A_10 = vector.extract_strided_slice %add3A_9 {offsets = [0, 0], sizes = [4, 65536], strides = [1, 1]} : vector<8x65536xf32> to vector<4x65536xf32>
    %slice3A_11 = vector.extract_strided_slice %add3A_9 {offsets = [4, 0], sizes = [4, 65536], strides = [1, 1]} : vector<8x65536xf32> to vector<4x65536xf32>
    %add3A_12 = arith.addf %slice3A_10, %slice3A_11 : vector<4x65536xf32>
    %slice3A_13 = vector.extract_strided_slice %add3A_12 {offsets = [0, 0], sizes = [2, 65536], strides = [1, 1]} : vector<4x65536xf32> to vector<2x65536xf32>
    %slice3A_14 = vector.extract_strided_slice %add3A_12 {offsets = [2, 0], sizes = [2, 65536], strides = [1, 1]} : vector<4x65536xf32> to vector<2x65536xf32>
    %add3A_15 = arith.addf %slice3A_13, %slice3A_14 : vector<2x65536xf32>
    %slice3A_16 = vector.extract_strided_slice %add3A_15 {offsets = [0, 0], sizes = [1, 65536], strides = [1, 1]} : vector<2x65536xf32> to vector<1x65536xf32>
    %slice3A_17 = vector.extract_strided_slice %add3A_15 {offsets = [1, 0], sizes = [1, 65536], strides = [1, 1]} : vector<2x65536xf32> to vector<1x65536xf32>
    %add3A_18 = arith.addf %slice3A_16, %slice3A_17 : vector<1x65536xf32>
    %sqrt3A = math.sqrt %add3A_18 : vector<1x65536xf32>
    %mul3A_19 = arith.constant 65536 : i32
    %mul3A_20 = arith.muli %arg0, %mul3A_19 : i32
    %iota3A = tpu.iota {dimensions = array<i32: 1>} : vector<1x65536xi32>
    %add3A_21 = vector.broadcast %mul3A_20 : i32 to vector<1x65536xi32>
    %add3A_22 = arith.addi %add3A_21, %iota3A : vector<1x65536xi32>
    %lt3A = arith.constant 1000000 : i32
    %lt3A_23 = vector.broadcast %lt3A : i32 to vector<1x65536xi32>
    %lt3A_24 = arith.cmpi slt, %add3A_22, %lt3A_23 : vector<1x65536xi32>
    %jit3A = arith.constant 0x7F800000 : f32
    %broadcast_in_dim3A_25 = vector.broadcast %jit3A : f32 to vector<1x65536xf32>
    %select_n3A = arith.select %lt3A_24, %sqrt3A, %broadcast_in_dim3A_25 : vector<1x65536xi1>, vector<1x65536xf32>
    %reshape3A = vector.shape_cast %select_n3A : vector<1x65536xf32> to vector<65536xf32>
    %swap3A = arith.constant 0 : index
    %swap3A_26 = vector.load %arg3[%swap3A] : memref<65536xf32, #tpu.memory_space<vmem>>, vector<65536xf32>
    tpu.vector_store %arg3[%swap3A], %reshape3A {strides = array<i32>} : memref<65536xf32, #tpu.memory_space<vmem>>, vector<65536xf32>,
    return
  }
  func.func @transform_0(%arg0: i32) -> (i32, i32) {
    %c0_i32 = arith.constant 0 : i32
    %c0_i32_0 = arith.constant 0 : i32
    %c0_i32_1 = arith.constant 0 : i32
    return %c0_i32, %c0_i32_0 : i32, i32
  }
  func.func @transform_1(%arg0: i32) -> (i32, i32) {
    %c0_i32 = arith.constant 0 : i32
    %c0_i32_0 = arith.constant 0 : i32
    return %c0_i32, %arg0 : i32, i32
  }
  func.func @transform_2(%arg0: i32) -> i32 {
    %c0_i32 = arith.constant 0 : i32
    return %arg0 : i32
  }
}

module attributes {stable_mosaic.version = 14 : i64} {
  func.func @_merge_body(%arg0: memref<32x16xf32, #tpu.memory_space<vmem>>, %arg1: memref<32x16xi32, #tpu.memory_space<vmem>>, %arg2: memref<1x16xi32, #tpu.memory_space<vmem>>, %arg3: memref<1x16xf32, #tpu.memory_space<vmem>>) attributes {dimension_semantics = [], scalar_prefetch = 0 : i64, scratch_operands = 0 : i64, tpu.core_type = #tpu.core_type<tc>} {
    %get3A = arith.constant 0 : index
    %get3A_0 = arith.constant 0 : index
    %get3A_1 = vector.load %arg0[%get3A, %get3A_0] : memref<32x16xf32, #tpu.memory_space<vmem>>, vector<32x16xf32>
    %get3A_2 = arith.constant 0 : index
    %get3A_3 = arith.constant 0 : index
    %get3A_4 = vector.load %arg1[%get3A_2, %get3A_3] : memref<32x16xi32, #tpu.memory_space<vmem>>, vector<32x16xi32>
    %convert_element_type3A = arith.sitofp %get3A_4 : vector<32x16xi32> to vector<32x16xf32>
    %iota3A = tpu.iota {dimensions = array<i32: 1>} : vector<1x16xi32>
    %broadcast_in_dim3A = arith.constant 0 : i32
    %broadcast_in_dim3A_5 = vector.broadcast %broadcast_in_dim3A : i32 to vector<1x16xi32>
    %reduce_min3A = vector.shape_cast %get3A_1 : vector<32x16xf32> to vector<1x32x16xf32>
    %reduce_min3A_6 = arith.constant dense<0x7F800000> : vector<1xf32>
    %reduce_min3A_7 = vector.multi_reduction <minimumf>, %reduce_min3A, %reduce_min3A_6 [1, 2] : vector<1x32x16xf32> to vector<1xf32>
    %reduce_min3A_8 = vector.shape_cast %reduce_min3A_7 : vector<1xf32> to vector<1x1x1xf32>
    %reduce_min3A_9 = vector.extract %reduce_min3A_8[0, 0, 0] : f32 from vector<1x1x1xf32>
    %eq3A = vector.broadcast %reduce_min3A_9 : f32 to vector<32x16xf32>
    %eq3A_10 = arith.cmpf oeq, %get3A_1, %eq3A : vector<32x16xf32>
    %jit3A = arith.constant 1073741824 : i32
    %broadcast_in_dim3A_11 = vector.broadcast %jit3A : i32 to vector<32x16xi32>
    %select_n3A = arith.select %eq3A_10, %get3A_4, %broadcast_in_dim3A_11 : vector<32x16xi1>, vector<32x16xi32>
    %reduce_min3A_12 = vector.shape_cast %select_n3A : vector<32x16xi32> to vector<1x32x16xi32>
    %reduce_min3A_13 = arith.constant dense<2147483647> : vector<1xi32>
    %reduce_min3A_14 = vector.multi_reduction <minsi>, %reduce_min3A_12, %reduce_min3A_13 [1, 2] : vector<1x32x16xi32> to vector<1xi32>
    %reduce_min3A_15 = vector.shape_cast %reduce_min3A_14 : vector<1xi32> to vector<1x1x1xi32>
    %reduce_min3A_16 = vector.extract %reduce_min3A_15[0, 0, 0] : i32 from vector<1x1x1xi32>
    %convert_element_type3A_17 = arith.sitofp %reduce_min3A_16 : i32 to f32
    %eq3A_18 = vector.broadcast %reduce_min3A_9 : f32 to vector<32x16xf32>
    %eq3A_19 = arith.cmpf oeq, %get3A_1, %eq3A_18 : vector<32x16xf32>
    %eq3A_20 = vector.broadcast %convert_element_type3A_17 : f32 to vector<32x16xf32>
    %eq3A_21 = arith.cmpf oeq, %convert_element_type3A, %eq3A_20 : vector<32x16xf32>
    %and3A = arith.andi %eq3A_19, %eq3A_21 : vector<32x16xi1>
    %eq3A_22 = arith.constant 0 : i32
    %eq3A_23 = vector.broadcast %eq3A_22 : i32 to vector<1x16xi32>
    %eq3A_24 = arith.cmpi eq, %iota3A, %eq3A_23 : vector<1x16xi32>
    %broadcast_in_dim3A_25 = vector.broadcast %reduce_min3A_16 : i32 to vector<1x16xi32>
    %select_n3A_26 = arith.select %eq3A_24, %broadcast_in_dim3A_25, %broadcast_in_dim3A_5 : vector<1x16xi1>, vector<1x16xi32>
    %jit3A_27 = arith.constant 3.000000e+38 : f32
    %broadcast_in_dim3A_28 = vector.broadcast %jit3A_27 : f32 to vector<32x16xf32>
    %select_n3A_29 = arith.select %and3A, %broadcast_in_dim3A_28, %get3A_1 : vector<32x16xi1>, vector<32x16xf32>
    %reduce_min3A_30 = vector.shape_cast %select_n3A_29 : vector<32x16xf32> to vector<1x32x16xf32>
    %reduce_min3A_31 = arith.constant dense<0x7F800000> : vector<1xf32>
    %reduce_min3A_32 = vector.multi_reduction <minimumf>, %reduce_min3A_30, %reduce_min3A_31 [1, 2] : vector<1x32x16xf32> to vector<1xf32>
    %reduce_min3A_33 = vector.shape_cast %reduce_min3A_32 : vector<1xf32> to vector<1x1x1xf32>
    %reduce_min3A_34 = vector.extract %reduce_min3A_33[0, 0, 0] : f32 from vector<1x1x1xf32>
    %eq3A_35 = vector.broadcast %reduce_min3A_34 : f32 to vector<32x16xf32>
    %eq3A_36 = arith.cmpf oeq, %select_n3A_29, %eq3A_35 : vector<32x16xf32>
    %jit3A_37 = arith.constant 1073741824 : i32
    %broadcast_in_dim3A_38 = vector.broadcast %jit3A_37 : i32 to vector<32x16xi32>
    %select_n3A_39 = arith.select %eq3A_36, %get3A_4, %broadcast_in_dim3A_38 : vector<32x16xi1>, vector<32x16xi32>
    %reduce_min3A_40 = vector.shape_cast %select_n3A_39 : vector<32x16xi32> to vector<1x32x16xi32>
    %reduce_min3A_41 = arith.constant dense<2147483647> : vector<1xi32>
    %reduce_min3A_42 = vector.multi_reduction <minsi>, %reduce_min3A_40, %reduce_min3A_41 [1, 2] : vector<1x32x16xi32> to vector<1xi32>
    %reduce_min3A_43 = vector.shape_cast %reduce_min3A_42 : vector<1xi32> to vector<1x1x1xi32>
    %reduce_min3A_44 = vector.extract %reduce_min3A_43[0, 0, 0] : i32 from vector<1x1x1xi32>
    %convert_element_type3A_45 = arith.sitofp %reduce_min3A_44 : i32 to f32
    %eq3A_46 = vector.broadcast %reduce_min3A_34 : f32 to vector<32x16xf32>
    %eq3A_47 = arith.cmpf oeq, %select_n3A_29, %eq3A_46 : vector<32x16xf32>
    %eq3A_48 = vector.broadcast %convert_element_type3A_45 : f32 to vector<32x16xf32>
    %eq3A_49 = arith.cmpf oeq, %convert_element_type3A, %eq3A_48 : vector<32x16xf32>
    %and3A_50 = arith.andi %eq3A_47, %eq3A_49 : vector<32x16xi1>
    %eq3A_51 = arith.constant 1 : i32
    %eq3A_52 = vector.broadcast %eq3A_51 : i32 to vector<1x16xi32>
    %eq3A_53 = arith.cmpi eq, %iota3A, %eq3A_52 : vector<1x16xi32>
    %broadcast_in_dim3A_54 = vector.broadcast %reduce_min3A_44 : i32 to vector<1x16xi32>
    %select_n3A_55 = arith.select %eq3A_53, %broadcast_in_dim3A_54, %select_n3A_26 : vector<1x16xi1>, vector<1x16xi32>
    %jit3A_56 = arith.constant 3.000000e+38 : f32
    %broadcast_in_dim3A_57 = vector.broadcast %jit3A_56 : f32 to vector<32x16xf32>
    %select_n3A_58 = arith.select %and3A_50, %broadcast_in_dim3A_57, %select_n3A_29 : vector<32x16xi1>, vector<32x16xf32>
    %reduce_min3A_59 = vector.shape_cast %select_n3A_58 : vector<32x16xf32> to vector<1x32x16xf32>
    %reduce_min3A_60 = arith.constant dense<0x7F800000> : vector<1xf32>
    %reduce_min3A_61 = vector.multi_reduction <minimumf>, %reduce_min3A_59, %reduce_min3A_60 [1, 2] : vector<1x32x16xf32> to vector<1xf32>
    %reduce_min3A_62 = vector.shape_cast %reduce_min3A_61 : vector<1xf32> to vector<1x1x1xf32>
    %reduce_min3A_63 = vector.extract %reduce_min3A_62[0, 0, 0] : f32 from vector<1x1x1xf32>
    %eq3A_64 = vector.broadcast %reduce_min3A_63 : f32 to vector<32x16xf32>
    %eq3A_65 = arith.cmpf oeq, %select_n3A_58, %eq3A_64 : vector<32x16xf32>
    %jit3A_66 = arith.constant 1073741824 : i32
    %broadcast_in_dim3A_67 = vector.broadcast %jit3A_66 : i32 to vector<32x16xi32>
    %select_n3A_68 = arith.select %eq3A_65, %get3A_4, %broadcast_in_dim3A_67 : vector<32x16xi1>, vector<32x16xi32>
    %reduce_min3A_69 = vector.shape_cast %select_n3A_68 : vector<32x16xi32> to vector<1x32x16xi32>
    %reduce_min3A_70 = arith.constant dense<2147483647> : vector<1xi32>
    %reduce_min3A_71 = vector.multi_reduction <minsi>, %reduce_min3A_69, %reduce_min3A_70 [1, 2] : vector<1x32x16xi32> to vector<1xi32>
    %reduce_min3A_72 = vector.shape_cast %reduce_min3A_71 : vector<1xi32> to vector<1x1x1xi32>
    %reduce_min3A_73 = vector.extract %reduce_min3A_72[0, 0, 0] : i32 from vector<1x1x1xi32>
    %convert_element_type3A_74 = arith.sitofp %reduce_min3A_73 : i32 to f32
    %eq3A_75 = vector.broadcast %reduce_min3A_63 : f32 to vector<32x16xf32>
    %eq3A_76 = arith.cmpf oeq, %select_n3A_58, %eq3A_75 : vector<32x16xf32>
    %eq3A_77 = vector.broadcast %convert_element_type3A_74 : f32 to vector<32x16xf32>
    %eq3A_78 = arith.cmpf oeq, %convert_element_type3A, %eq3A_77 : vector<32x16xf32>
    %and3A_79 = arith.andi %eq3A_76, %eq3A_78 : vector<32x16xi1>
    %eq3A_80 = arith.constant 2 : i32
    %eq3A_81 = vector.broadcast %eq3A_80 : i32 to vector<1x16xi32>
    %eq3A_82 = arith.cmpi eq, %iota3A, %eq3A_81 : vector<1x16xi32>
    %broadcast_in_dim3A_83 = vector.broadcast %reduce_min3A_73 : i32 to vector<1x16xi32>
    %select_n3A_84 = arith.select %eq3A_82, %broadcast_in_dim3A_83, %select_n3A_55 : vector<1x16xi1>, vector<1x16xi32>
    %jit3A_85 = arith.constant 3.000000e+38 : f32
    %broadcast_in_dim3A_86 = vector.broadcast %jit3A_85 : f32 to vector<32x16xf32>
    %select_n3A_87 = arith.select %and3A_79, %broadcast_in_dim3A_86, %select_n3A_58 : vector<32x16xi1>, vector<32x16xf32>
    %reduce_min3A_88 = vector.shape_cast %select_n3A_87 : vector<32x16xf32> to vector<1x32x16xf32>
    %reduce_min3A_89 = arith.constant dense<0x7F800000> : vector<1xf32>
    %reduce_min3A_90 = vector.multi_reduction <minimumf>, %reduce_min3A_88, %reduce_min3A_89 [1, 2] : vector<1x32x16xf32> to vector<1xf32>
    %reduce_min3A_91 = vector.shape_cast %reduce_min3A_90 : vector<1xf32> to vector<1x1x1xf32>
    %reduce_min3A_92 = vector.extract %reduce_min3A_91[0, 0, 0] : f32 from vector<1x1x1xf32>
    %eq3A_93 = vector.broadcast %reduce_min3A_92 : f32 to vector<32x16xf32>
    %eq3A_94 = arith.cmpf oeq, %select_n3A_87, %eq3A_93 : vector<32x16xf32>
    %jit3A_95 = arith.constant 1073741824 : i32
    %broadcast_in_dim3A_96 = vector.broadcast %jit3A_95 : i32 to vector<32x16xi32>
    %select_n3A_97 = arith.select %eq3A_94, %get3A_4, %broadcast_in_dim3A_96 : vector<32x16xi1>, vector<32x16xi32>
    %reduce_min3A_98 = vector.shape_cast %select_n3A_97 : vector<32x16xi32> to vector<1x32x16xi32>
    %reduce_min3A_99 = arith.constant dense<2147483647> : vector<1xi32>
    %reduce_min3A_100 = vector.multi_reduction <minsi>, %reduce_min3A_98, %reduce_min3A_99 [1, 2] : vector<1x32x16xi32> to vector<1xi32>
    %reduce_min3A_101 = vector.shape_cast %reduce_min3A_100 : vector<1xi32> to vector<1x1x1xi32>
    %reduce_min3A_102 = vector.extract %reduce_min3A_101[0, 0, 0] : i32 from vector<1x1x1xi32>
    %convert_element_type3A_103 = arith.sitofp %reduce_min3A_102 : i32 to f32
    %eq3A_104 = vector.broadcast %reduce_min3A_92 : f32 to vector<32x16xf32>
    %eq3A_105 = arith.cmpf oeq, %select_n3A_87, %eq3A_104 : vector<32x16xf32>
    %eq3A_106 = vector.broadcast %convert_element_type3A_103 : f32 to vector<32x16xf32>
    %eq3A_107 = arith.cmpf oeq, %convert_element_type3A, %eq3A_106 : vector<32x16xf32>
    %and3A_108 = arith.andi %eq3A_105, %eq3A_107 : vector<32x16xi1>
    %eq3A_109 = arith.constant 3 : i32
    %eq3A_110 = vector.broadcast %eq3A_109 : i32 to vector<1x16xi32>
    %eq3A_111 = arith.cmpi eq, %iota3A, %eq3A_110 : vector<1x16xi32>
    %broadcast_in_dim3A_112 = vector.broadcast %reduce_min3A_102 : i32 to vector<1x16xi32>
    %select_n3A_113 = arith.select %eq3A_111, %broadcast_in_dim3A_112, %select_n3A_84 : vector<1x16xi1>, vector<1x16xi32>
    %jit3A_114 = arith.constant 3.000000e+38 : f32
    %broadcast_in_dim3A_115 = vector.broadcast %jit3A_114 : f32 to vector<32x16xf32>
    %select_n3A_116 = arith.select %and3A_108, %broadcast_in_dim3A_115, %select_n3A_87 : vector<32x16xi1>, vector<32x16xf32>
    %reduce_min3A_117 = vector.shape_cast %select_n3A_116 : vector<32x16xf32> to vector<1x32x16xf32>
    %reduce_min3A_118 = arith.constant dense<0x7F800000> : vector<1xf32>
    %reduce_min3A_119 = vector.multi_reduction <minimumf>, %reduce_min3A_117, %reduce_min3A_118 [1, 2] : vector<1x32x16xf32> to vector<1xf32>
    %reduce_min3A_120 = vector.shape_cast %reduce_min3A_119 : vector<1xf32> to vector<1x1x1xf32>
    %reduce_min3A_121 = vector.extract %reduce_min3A_120[0, 0, 0] : f32 from vector<1x1x1xf32>
    %eq3A_122 = vector.broadcast %reduce_min3A_121 : f32 to vector<32x16xf32>
    %eq3A_123 = arith.cmpf oeq, %select_n3A_116, %eq3A_122 : vector<32x16xf32>
    %jit3A_124 = arith.constant 1073741824 : i32
    %broadcast_in_dim3A_125 = vector.broadcast %jit3A_124 : i32 to vector<32x16xi32>
    %select_n3A_126 = arith.select %eq3A_123, %get3A_4, %broadcast_in_dim3A_125 : vector<32x16xi1>, vector<32x16xi32>
    %reduce_min3A_127 = vector.shape_cast %select_n3A_126 : vector<32x16xi32> to vector<1x32x16xi32>
    %reduce_min3A_128 = arith.constant dense<2147483647> : vector<1xi32>
    %reduce_min3A_129 = vector.multi_reduction <minsi>, %reduce_min3A_127, %reduce_min3A_128 [1, 2] : vector<1x32x16xi32> to vector<1xi32>
    %reduce_min3A_130 = vector.shape_cast %reduce_min3A_129 : vector<1xi32> to vector<1x1x1xi32>
    %reduce_min3A_131 = vector.extract %reduce_min3A_130[0, 0, 0] : i32 from vector<1x1x1xi32>
    %eq3A_132 = arith.constant 4 : i32
    %eq3A_133 = vector.broadcast %eq3A_132 : i32 to vector<1x16xi32>
    %eq3A_134 = arith.cmpi eq, %iota3A, %eq3A_133 : vector<1x16xi32>
    %broadcast_in_dim3A_135 = vector.broadcast %reduce_min3A_131 : i32 to vector<1x16xi32>
    %select_n3A_136 = arith.select %eq3A_134, %broadcast_in_dim3A_135, %select_n3A_113 : vector<1x16xi1>, vector<1x16xi32>
    %swap3A = arith.constant 0 : index
    %swap3A_137 = arith.constant 0 : index
    %swap3A_138 = vector.load %arg2[%swap3A, %swap3A_137] : memref<1x16xi32, #tpu.memory_space<vmem>>, vector<1x16xi32>
    tpu.vector_store %arg2[%swap3A, %swap3A_137], %select_n3A_136 {strides = array<i32>} : memref<1x16xi32, #tpu.memory_space<vmem>>, vector<1x16xi32>,
    %broadcast_in_dim3A_139 = vector.broadcast %reduce_min3A_9 : f32 to vector<1x16xf32>
    %swap3A_140 = arith.constant 0 : index
    %swap3A_141 = arith.constant 0 : index
    %swap3A_142 = vector.load %arg3[%swap3A_140, %swap3A_141] : memref<1x16xf32, #tpu.memory_space<vmem>>, vector<1x16xf32>
    tpu.vector_store %arg3[%swap3A_140, %swap3A_141], %broadcast_in_dim3A_139 {strides = array<i32>} : memref<1x16xf32, #tpu.memory_space<vmem>>, vector<1x16xf32>,
    return
  }
}

module attributes {stable_mosaic.version = 14 : i64} {
  func.func @_vote_body(%arg0: memref<5x21xf32, #tpu.memory_space<vmem>>, %arg1: memref<1x16xf32, #tpu.memory_space<vmem>>, %arg2: memref<1x16xf32, #tpu.memory_space<vmem>>, %arg3: memref<1x1xf32, #tpu.memory_space<smem>>, %arg4: memref<1x16xf32, #tpu.memory_space<vmem>>, %arg5: memref<1x16xf32, #tpu.memory_space<vmem>>) attributes {dimension_semantics = [], scalar_prefetch = 0 : i64, scratch_operands = 0 : i64, tpu.core_type = #tpu.core_type<tc>} {
    %get3A = arith.constant 0 : index
    %get3A_0 = arith.constant 0 : index
    %get3A_1 = vector.load %arg0[%get3A, %get3A_0] : memref<5x21xf32, #tpu.memory_space<vmem>>, vector<5x21xf32>
    %reduce_sum3A = arith.constant dense<0.000000e+00> : vector<21xf32>
    %reduce_sum3A_2 = vector.multi_reduction <add>, %get3A_1, %reduce_sum3A [0] : vector<5x21xf32> to vector<21xf32>
    %broadcast_in_dim3A = vector.shape_cast %reduce_sum3A_2 : vector<21xf32> to vector<1x21xf32>
    %iota3A = tpu.iota {dimensions = array<i32: 1>} : vector<1x21xi32>
    %reduce_max3A = vector.shape_cast %broadcast_in_dim3A : vector<1x21xf32> to vector<1x1x21xf32>
    %reduce_max3A_3 = arith.constant dense<0xFF800000> : vector<1xf32>
    %reduce_max3A_4 = vector.multi_reduction <maximumf>, %reduce_max3A, %reduce_max3A_3 [1, 2] : vector<1x1x21xf32> to vector<1xf32>
    %reduce_max3A_5 = vector.shape_cast %reduce_max3A_4 : vector<1xf32> to vector<1x1x1xf32>
    %reduce_max3A_6 = vector.extract %reduce_max3A_5[0, 0, 0] : f32 from vector<1x1x1xf32>
    %eq3A = vector.broadcast %reduce_max3A_6 : f32 to vector<1x21xf32>
    %eq3A_7 = arith.cmpf oeq, %broadcast_in_dim3A, %eq3A : vector<1x21xf32>
    %jit3A = arith.constant 1073741824 : i32
    %broadcast_in_dim3A_8 = vector.broadcast %jit3A : i32 to vector<1x21xi32>
    %select_n3A = arith.select %eq3A_7, %iota3A, %broadcast_in_dim3A_8 : vector<1x21xi1>, vector<1x21xi32>
    %reduce_min3A = vector.shape_cast %select_n3A : vector<1x21xi32> to vector<1x1x21xi32>
    %reduce_min3A_9 = arith.constant dense<2147483647> : vector<1xi32>
    %reduce_min3A_10 = vector.multi_reduction <minsi>, %reduce_min3A, %reduce_min3A_9 [1, 2] : vector<1x1x21xi32> to vector<1xi32>
    %reduce_min3A_11 = vector.shape_cast %reduce_min3A_10 : vector<1xi32> to vector<1x1x1xi32>
    %reduce_min3A_12 = vector.extract %reduce_min3A_11[0, 0, 0] : i32 from vector<1x1x1xi32>
    %get3A_13 = arith.constant 0 : index
    %get3A_14 = arith.constant 0 : index
    %get3A_15 = vector.load %arg4[%get3A_13, %get3A_14] : memref<1x16xf32, #tpu.memory_space<vmem>>, vector<1x16xf32>
    %slice3A = vector.extract_strided_slice %get3A_15 {offsets = [0, 0], sizes = [1, 1], strides = [1, 1]} : vector<1x16xf32> to vector<1x1xf32>
    %squeeze3A = vector.extract %slice3A[0, 0] : f32 from vector<1x1xf32>
    %gt3A = arith.constant 1.000000e+01 : f32
    %gt3A_16 = arith.cmpf ogt, %squeeze3A, %gt3A : f32
    %jit3A_17 = arith.constant 20 : i32
    %select_n3A_18 = arith.select %gt3A_16, %jit3A_17, %reduce_min3A_12 : i32
    %iota3A_19 = tpu.iota {dimensions = array<i32: 1>} : vector<1x16xi32>
    %get3A_20 = arith.constant 0 : index
    %get3A_21 = arith.constant 0 : index
    %get3A_22 = vector.load %arg2[%get3A_20, %get3A_21] : memref<1x16xf32, #tpu.memory_space<vmem>>, vector<1x16xf32>
    %get3A_23 = arith.constant 0 : index
    %get3A_24 = arith.constant 0 : index
    %get3A_25 = vector.load %arg1[%get3A_23, %get3A_24] : memref<1x16xf32, #tpu.memory_space<vmem>>, vector<1x16xf32>
    %get3A_26 = arith.constant 0 : index
    %get3A_27 = arith.constant 0 : index
    %get3A_28 = memref.load %arg3[%get3A_26, %get3A_27] : memref<1x1xf32, #tpu.memory_space<smem>>
    %lt3A = arith.constant 10 : i32
    %lt3A_29 = arith.cmpi slt, %select_n3A_18, %lt3A : i32
    %ge3A = arith.constant 10 : i32
    %ge3A_30 = arith.cmpi sge, %select_n3A_18, %ge3A : i32
    %lt3A_31 = arith.constant 20 : i32
    %lt3A_32 = arith.cmpi slt, %select_n3A_18, %lt3A_31 : i32
    %and3A = arith.andi %ge3A_30, %lt3A_32 : i1
    %jit3A_33 = arith.constant 0 : i32
    %jit3A_34 = arith.constant 9 : i32
    %max3A = arith.maxsi %jit3A_33, %select_n3A_18 : i32
    %min3A = arith.minsi %jit3A_34, %max3A : i32
    %sub3A = arith.constant 10 : i32
    %sub3A_35 = arith.subi %select_n3A_18, %sub3A : i32
    %jit3A_36 = arith.constant 0 : i32
    %jit3A_37 = arith.constant 9 : i32
    %max3A_38 = arith.maxsi %jit3A_36, %sub3A_35 : i32
    %min3A_39 = arith.minsi %jit3A_37, %max3A_38 : i32
    %eq3A_40 = vector.broadcast %min3A : i32 to vector<1x16xi32>
    %eq3A_41 = arith.cmpi eq, %iota3A_19, %eq3A_40 : vector<1x16xi32>
    %jit3A_42 = arith.constant 0.000000e+00 : f32
    %broadcast_in_dim3A_43 = vector.broadcast %jit3A_42 : f32 to vector<1x16xf32>
    %select_n3A_44 = arith.select %eq3A_41, %get3A_25, %broadcast_in_dim3A_43 : vector<1x16xi1>, vector<1x16xf32>
    %reduce_sum3A_45 = vector.shape_cast %select_n3A_44 : vector<1x16xf32> to vector<1x1x16xf32>
    %reduce_sum3A_46 = arith.constant dense<0.000000e+00> : vector<1xf32>
    %reduce_sum3A_47 = vector.multi_reduction <add>, %reduce_sum3A_45, %reduce_sum3A_46 [1, 2] : vector<1x1x16xf32> to vector<1xf32>
    %reduce_sum3A_48 = vector.shape_cast %reduce_sum3A_47 : vector<1xf32> to vector<1x1x1xf32>
    %reduce_sum3A_49 = vector.extract %reduce_sum3A_48[0, 0, 0] : f32 from vector<1x1x1xf32>
    %eq3A_50 = vector.broadcast %min3A : i32 to vector<1x16xi32>
    %eq3A_51 = arith.cmpi eq, %iota3A_19, %eq3A_50 : vector<1x16xi32>
    %broadcast_in_dim3A_52 = vector.broadcast %reduce_sum3A_49 : f32 to vector<1x16xf32>
    %select_n3A_53 = arith.select %eq3A_51, %broadcast_in_dim3A_52, %get3A_22 : vector<1x16xi1>, vector<1x16xf32>
    %eq3A_54 = vector.broadcast %min3A_39 : i32 to vector<1x16xi32>
    %eq3A_55 = arith.cmpi eq, %iota3A_19, %eq3A_54 : vector<1x16xi32>
    %jit3A_56 = arith.constant 0.000000e+00 : f32
    %broadcast_in_dim3A_57 = vector.broadcast %jit3A_56 : f32 to vector<1x16xf32>
    %select_n3A_58 = arith.select %eq3A_55, %broadcast_in_dim3A_57, %get3A_22 : vector<1x16xi1>, vector<1x16xf32>
    %select_n3A_59 = arith.select %and3A, %select_n3A_58, %get3A_22 : vector<1x16xf32>
    %select_n3A_60 = arith.select %lt3A_29, %select_n3A_53, %select_n3A_59 : vector<1x16xf32>
    %lt3A_61 = arith.constant 10 : i32
    %lt3A_62 = vector.broadcast %lt3A_61 : i32 to vector<1x16xi32>
    %lt3A_63 = arith.cmpi slt, %iota3A_19, %lt3A_62 : vector<1x16xi32>
    %jit3A_64 = arith.constant 0.000000e+00 : f32
    %broadcast_in_dim3A_65 = vector.broadcast %jit3A_64 : f32 to vector<1x16xf32>
    %select_n3A_66 = arith.select %lt3A_63, %select_n3A_60, %broadcast_in_dim3A_65 : vector<1x16xi1>, vector<1x16xf32>
    %reduce_sum3A_67 = vector.shape_cast %select_n3A_66 : vector<1x16xf32> to vector<1x1x16xf32>
    %reduce_sum3A_68 = arith.constant dense<0.000000e+00> : vector<1xf32>
    %reduce_sum3A_69 = vector.multi_reduction <add>, %reduce_sum3A_67, %reduce_sum3A_68 [1, 2] : vector<1x1x16xf32> to vector<1xf32>
    %reduce_sum3A_70 = vector.shape_cast %reduce_sum3A_69 : vector<1xf32> to vector<1x1x1xf32>
    %reduce_sum3A_71 = vector.extract %reduce_sum3A_70[0, 0, 0] : f32 from vector<1x1x1xf32>
    %eq3A_72 = arith.constant 10 : i32
    %eq3A_73 = vector.broadcast %eq3A_72 : i32 to vector<1x16xi32>
    %eq3A_74 = arith.cmpi eq, %iota3A_19, %eq3A_73 : vector<1x16xi32>
    %sub3A_75 = arith.subf %get3A_28, %reduce_sum3A_71 : f32
    %broadcast_in_dim3A_76 = vector.broadcast %sub3A_75 : f32 to vector<1x16xf32>
    %select_n3A_77 = arith.select %eq3A_74, %broadcast_in_dim3A_76, %select_n3A_60 : vector<1x16xi1>, vector<1x16xf32>
    %swap3A = arith.constant 0 : index
    %swap3A_78 = arith.constant 0 : index
    %swap3A_79 = vector.load %arg5[%swap3A, %swap3A_78] : memref<1x16xf32, #tpu.memory_space<vmem>>, vector<1x16xf32>
    tpu.vector_store %arg5[%swap3A, %swap3A_78], %select_n3A_77 {strides = array<i32>} : memref<1x16xf32, #tpu.memory_space<vmem>>, vector<1x16xf32>,
    return
  }
}

</mosaic_0001>

<sc_bundles>
// kernel: kernel.7.cloned.1.call-start
scs
__scs_entry_jumppad:
0x0: {  	(pc) =	sbr.rel $0x88, $3  }
0x1: {  	(tag) =	ssettag $0x0;
	lr =	simm.s32 $0x1  }
0x2: {  	[smem:$0x3F9B] =	sst lr;
	_ =	strace $0xD0000000  }
0x3: {  	_ = 	snop  }
0x4: {  	_ = 	snop  }
0x5: {  	_ = 	snop  }
0x6: {  	_ = 	snop  }
0x7: {  	_ = 	snop  }
__scs_overlays_trampoline_lowered:
0x8: {  	[smem:$0x3FAA] =	sst s0  }
0x9: {  	[smem:$0x3FAB] =	sst s1  }
0xa: {  	[smem:$0x3FAC] =	sst s2  }
0xb: {  	[smem:$0x3FAD] =	sst s3  }
0xc: {  	[smem:$0x3FAE] =	sst s4  }
0xd: {  	[smem:$0x3FAF] =	sst s5  }
0xe: {  	[smem:$0x3FB0] =	sst s6  }
0xf: {  	[smem:$0x3FB1] =	sst s7  }
0x10: {  	[smem:$0x3FB2] =	sst s8  }
0x11: {  	[smem:$0x3FB3] =	sst s9;
	s0 =	simm.s32 @!p0 $0x0  }
0x12: {  	s1 =	sld [smem:$0x3F99];
	s0 =	simm.s32 @p0 $0x1  }
0x13: {  	[smem:$0x3FB4] =	sst s0;
	s0 =	simm.s32 @!p1 $0x0  }
0x14: {  	s2 =	sld [smem:$0x3F98];
	s0 =	simm.s32 @p1 $0x1  }
0x15: {  	[smem:$0x3FB5] =	sst s0;
	s0 =	simm.s32 @!p2 $0x0  }
0x16: {  	s3 =	sld [smem:$0x3FDB];
	s0 =	simm.s32 @p2 $0x1  }
0x17: {  	s4 =	simm.s32 $0x1BF5;
	[smem:$0x3FB7] =	sst s0  }
0x18: {  	s0 =	sld [smem:$0x3F9A];
	_ =	swait.ge [sflag:s4], $0x0  }
0x19: {  	s7 =	sld [smem:$0x3F9B]  }
0x1a: {  	s8 =	sadd.s32 $0xFFFFE003, lr  }
0x1b: {  	s9 =	sadd.s32 $0xFFFFFEF7, lr;
	s5 =	simm.s32 $0xFFFFFFFF;
	p2 =	slt.u32 s8, $0xFFFFF086  }
0x1c: {  	p1 =	slt.u32 s9, $0xF7A;
	s5 =	simm.s32 @!p2 $0x0  }
0x1d: {  	s5 =	simm.s32 @p1 $0x1;
	p0 =	seq.s32 s7, s2  }
0x1e: {  	s7 =	smul.u32 @!p0 $0xF7A, s2;
	p2 =	seq.s32 @!p0 s5, $0x0  }
0x1f: {  	s9 =	smul.u32 $0xF7A, s1;
	s8 =	simm.s32 @!p0 $0x1BF5;
	p2 =	por !p2, p0  }
0x20: {  	[sflag:s8] =	ssyncset.s32 @!p0 $0xFFFFF086;
	s6 =	sadd.s32 @!p0 s3, s7;
	s7 =	simm.s32 @!p0 $0x108  }
0x21: {  	s3 =	sadd.s32 s3, s9;
	s6 =	sadd.s32 @!p0 $0x88, s6;
	s7 =	simm.s32 @p2 $0x1082  }
0x22: {  	[simem:s7], [sflag:s8] =	dma.local @!p0 [hbm:s6], $0xF7A  }
0x23: {  	s9 =	sor.u32 $0xD0000000, s2;
	s6 =	simm.s32 $0x108;
	_ =	swait.ge @!p0 [sflag:s8], $0x0  }
0x24: {  	s3 =	sadd.s32 $0x88, s3;
	s6 =	simm.s32 @!p1 $0x1082;
	[sflag:s4] =	ssyncset.s32 $0xFFFFF086  }
0x25: {  	[simem:s6], [sflag:s4] =	dma.local [hbm:s3], $0xF7A  }
0x26: {  	[smem:$0x3F9B] =	sst s1;
	(tag) =	ssettag s2;
	_ =	strace s9  }
0x27: {  	s1 =	sld [smem:$0x3FAB]  }
0x28: {  	s2 =	sld [smem:$0x3FAC]  }
0x29: {  	s4 =	sld [smem:$0x3FAE]  }
0x2a: {  	p0 =	seq.s32 s5, $0x0;
	s5 =	sld [smem:$0x3FAF]  }
0x2b: {  	s6 =	sld [smem:$0x3FB0]  }
0x2c: {  	s7 =	sld [smem:$0x3FB1]  }
0x2d: {  	s3 =	simm.s32 $0x108;
	s8 =	sld [smem:$0x3FB2]  }
0x2e: {  	s3 =	simm.s32 @!p0 $0x1082;
	s9 =	sld [smem:$0x3FB3]  }
0x2f: {  	lr =	sadd.s32 s0, s3;
	s0 =	sld [smem:$0x3FAA]  }
0x30: {  	s3 =	sld [smem:$0x3FAD]  }
0x31: {  	[smem:$0x3FB6] =	sst s10  }
0x32: {  	s10 =	sld [smem:$0x3FB4];
	_ =	sdelay $0x3  }
0x33: {  	p0 =	seq.s32 s10, $0x1;
	s10 =	sld [smem:$0x3FB6];
	_ =	sdelay $0x3  }
0x34: {  	[smem:$0x3FB6] =	sst s10  }
0x35: {  	s10 =	sld [smem:$0x3FB5];
	_ =	sdelay $0x3  }
0x36: {  	p1 =	seq.s32 s10, $0x1;
	s10 =	sld [smem:$0x3FB6];
	_ =	sdelay $0x3  }
0x37: {  	[smem:$0x3FB6] =	sst s10  }
0x38: {  	s10 =	sld [smem:$0x3FB7]  }
0x39: {  	_ = 	snop;
	(pc) =	sbr.ind lr, $3  }
0x3a: {  	_ = 	snop  }
0x3b: {  	_ = 	snop  }
0x3c: {  	p2 =	seq.s32 s10, $0x1;
	s10 =	sld [smem:$0x3FB6]  }
0x3d: {  	_ =	shalt  }
0x3e: {  	_ =	shalt  }
0x3f: {  	_ =	shalt  }
0x40: {  	_ =	shalt  }
0x41: {  	_ =	shalt  }
0x42: {  	_ =	shalt  }
0x43: {  	_ =	shalt  }
0x44: {  	_ =	shalt  }
0x45: {  	_ =	shalt  }
0x46: {  	_ =	shalt  }
0x47: {  	_ =	shalt  }
0x48: {  	_ =	shalt  }
0x49: {  	_ =	shalt  }
0x4a: {  	_ =	shalt  }
0x4b: {  	_ =	shalt  }
0x4c: {  	_ =	shalt  }
0x4d: {  	_ =	shalt  }
0x4e: {  	_ =	shalt  }
0x4f: {  	_ =	shalt  }
0x50: {  	_ =	shalt  }
0x51: {  	_ =	shalt  }
0x52: {  	_ =	shalt  }
0x53: {  	_ =	shalt  }
0x54: {  	_ =	shalt  }
0x55: {  	_ =	shalt  }
0x56: {  	_ =	shalt  }
0x57: {  	_ =	shalt  }
0x58: {  	_ =	shalt  }
0x59: {  	_ =	shalt  }
0x5a: {  	_ =	shalt  }
0x5b: {  	_ =	shalt  }
0x5c: {  	_ =	shalt  }
0x5d: {  	_ =	shalt  }
0x5e: {  	_ =	shalt  }
0x5f: {  	_ =	shalt  }
0x60: {  	_ =	shalt  }
0x61: {  	_ =	shalt  }
0x62: {  	_ =	shalt  }
0x63: {  	_ =	shalt  }
0x64: {  	_ =	shalt  }
0x65: {  	_ =	shalt  }
0x66: {  	_ =	shalt  }
0x67: {  	_ =	shalt  }
0x68: {  	_ =	shalt  }
0x69: {  	_ =	shalt  }
0x6a: {  	_ =	shalt  }
0x6b: {  	_ =	shalt  }
0x6c: {  	_ =	shalt  }
0x6d: {  	_ =	shalt  }
0x6e: {  	_ =	shalt  }
0x6f: {  	_ =	shalt  }
0x70: {  	_ =	shalt  }
0x71: {  	_ =	shalt  }
0x72: {  	_ =	shalt  }
0x73: {  	_ =	shalt  }
0x74: {  	_ =	shalt  }
0x75: {  	_ =	shalt  }
0x76: {  	_ =	shalt  }
0x77: {  	_ =	shalt  }
0x78: {  	_ =	shalt  }
0x79: {  	_ =	shalt  }
0x7a: {  	_ =	shalt  }
0x7b: {  	_ =	shalt  }
0x7c: {  	_ =	shalt  }
0x7d: {  	_ =	shalt  }
0x7e: {  	_ =	shalt  }
0x7f: {  	_ =	shalt  }
0x80: {  	_ =	shalt  }
0x81: {  	_ =	shalt  }
0x82: {  	_ =	shalt  }
0x83: {  	_ =	shalt  }
0x84: {  	_ =	shalt  }
0x85: {  	_ =	shalt  }
0x86: {  	_ =	shalt  }
0x87: {  	_ =	shalt  }
.Lfunc_end0:
.L_simem_size_0:
called_computation_lowered:
.L_overlay_start_0:
0x88: {  	s2 =	sld [smem:$0x3FD9]  }
0x89: {  	s3 =	sld [smem:$0x3FFE];
	_ =	sdelay $0x1  }
0x8a: {  	s1 =	srdreg.scid  }
0x8b: {  	s0 =	sand.u32 $0x1, s1  }
0x8c: {  	s16 =	sshll.u32 s0, $0xA;
	s2 =	sadd.s32 s3, s2  }
0x8d: {  	s2 =	sadd.s32 s2, s16  }
0x8e: {  	[smem:$0x3FC2] =	sst s2  }
0x8f: {  	_ = 	snop  }
0x90: {  	(tm) =	ssettm $0x1  }
0x91: {  	s17 =	sld [smem:$0x3FFB];
	_ =	sdelay $0x3  }
0x92: {  	_ =	strace s17  }
0x93: {  	s2 =	sld [smem:$0x3FFC];
	_ =	sdelay $0x3  }
0x94: {  	_ =	strace s2  }
0x95: {  	s2 =	sld [smem:$0x3FFD];
	_ =	sdelay $0x3  }
0x96: {  	_ =	strace s2  }
0x97: {  	_ =	strace $0x8FFFFFFF  }
0x98: {  	s18 =	sld [smem:$0x3FDB];
	_ =	sdelay $0x1  }
0x99: {  	s19 =	simm.s32 $_scs_section_size  }
0x9a: {  	s4 =	simm.s32 $_size__tile_overlayer_lowered;
	s5 =	simm.s32 $_tile_overlayer_lowered  }
0x9b: {  	s22 =	simm.s32 $0x1BFF;
	s21 =	sshll.u32 s5, $0x1;
	s2 =	sadd.s32 s19, s18  }
0x9c: {  	s6 =	simm.s32 $0x0;
	s20 =	sshll.u32 s4, $0x1;
	s4 =	sadd.s32 s21, s2  }
0x9d: {  	[timem:s6], [sflag:s22] =	dma.local [hbm:s4], s20  }
0x9e: {  	_ =	swait.ge [sflag:s22], s20  }
0x9f: {  	s3 =	ssub.s32 $0x0, s20;
	[sflag:s22] =	ssyncset.done $0x0  }
0xa0: {  	[sflag:s22] =	ssyncadd.s32 s3;
	_ =	sdelay $0x1  }
0xa1: {  	s23 =	simm.s32 $0x1B8B  }
0xa2: {  	_ =	swait.ge [sflag:s23], $0x1  }
0xa3: {  	[sflag:s23] =	ssyncset.done $0x0  }
0xa4: {  	s25 =	simm.s32 $0x1B8E;
	s24 =	sld [smem:$0x3FFE];
	[sflag:s23] =	ssyncadd.s32 $0xFFFFFFFF  }
0xa5: {  	s26 =	simm.s32 $execute0_lowered;
	[smem:$0x3FD2] =	sst s25  }
0xa6: {  	s4 =	sshll.u32 s26, $0x1;
	_ =	strace $0x80000046;
	[dreg:$0x1] =	wrdreg $0xFFFFFFFF  }
0xa7: {  	s28 =	simm.s32 $_size_execute0_lowered;
	s2 =	sadd.s32 s2, s4;
	[dreg:$0x0] =	wrdreg $0x0  }
0xa8: {  	s4 =	sshll.u32 s28, $0x1;
	[dreg:$0x2] =	wrdreg s2  }
0xa9: {  	[dreg:$0x3] =	wrdreg s4  }
0xaa: {  	[dreg:$0x4] =	wrdreg $0xC0  }
0xab: {  	_ =	task [dreg:s6], $0x5FFFF  }
0xac: {  	[dreg:$0x1] =	wrdreg $0xFFFFFFFF  }
0xad: {  	[dreg:$0x0] =	wrdreg $0x60  }
0xae: {  	[dreg:$0x2] =	wrdreg s24  }
0xaf: {  	[dreg:$0x3] =	wrdreg $0x9  }
0xb0: {  	_ =	task.clear_ibuf [dreg:s6], $0x4FFFF;
	_ =	strace $0x90000046  }
0xb1: {  	s29 =	simm.s32 $0x9;
	_ =	strace $0x80000048  }
0xb2: {  	_ =	swait.ge [sflag:s29], $0x1  }
0xb3: {  	[sflag:s29] =	ssyncadd.s32 $0xFFFFFFFF  }
0xb4: {  	_ =	strace $0x90000048  }
0xb5: {  	_ =	sfence  }
0xb6: {  	s30 =	sld [smem:$0x0];
	_ =	sdelay $0x2  }
0xb7: {  	s31 =	sshll.u32 s1, $0xD;
	s1 =	sshrl.u32 s1, $0x2  }
0xb8: {  	s3 =	sand.u32 $0x4000, s31;
	s1 =	sadd.s32 s1, s30  }
0xb9: {  	s0 =	sor.u32 s3, s0;
	s1 =	sshll.u32 s1, $0x11  }
0xba: {  	s0 =	sor.u32 s1, s0  }
0xbb: {  	s0 =	sadd.s32 $0x8F2B, s0  }
0xbc: {  	[sflag:s0] =	ssyncadd.remote.s32 $0x1  }
0xbd: {  	_ =	sfence.sel $0xFFFF  }
0xbe: {  	[dreg:$0x0] =	wrdreg $0xFFFFFFFF;
	(pc) =	sbr.abs _section_cstart, $3  }
0xbf: {  	[dreg:$0x1] =	wrdreg $0xFFFFFFFF  }
0xc0: {  	_ =	task.clear_ibuf [dreg:s6], $0x2FFFF;
	_ =	strace $0x9FFFFFFF  }
0xc1: {  	(tm) =	ssettm $0x7FFFFFFF  }
tec
execute0_lowered:
.L_overlay_start_1:
0x0: {  	(tag) =	ssettag $0x1  }
0x1: {  	s3 =	rddreg [dreg:$0x0]  }
0x2: {  	s0 =	rddreg [dreg:$0x1]  }
0x3: {  	s2 =	simm.s32 $0x0;
	s4 =	srdreg.scid;
	s1 =	stileid.u32  }
0x4: {  	s10 =	simm.s32 $0x8080;
	s11 =	simm.s32 $0x0;
	[smem:$0x7FF] =	sst s2  }
0x5: {  	s6 =	sand.u32 $0x1, s4;
	s29 =	sshll.u32 s1, $0x1;
	s31 =	sshll.u32 s1, $0x10  }
0x6: {  	_ =	strace $0x80000047;
	s4 =	sor.u32 s6, s29;
	s7 =	ssub.s32 $0x2, s6  }
.Ltmp0:
0x7: {  	s9 =	sshll.u32 s6, $0xF;
	s5 =	sshll.u32 s4, $0xC;
	(pc) =	sbr.rel .LBB2_1-.Ltmp0, $4  }
0x8: {  	s4 =	sshll.u32 s4, $0x4;
	s30 =	sshrl.u32 s7, $0x1;
	s5 =	sadd.s32 s5, s3  }
0x9: {  	s8 =	sadd.s32 s4, s3;
	s7 =	ssub.s32 s7, s30;
	s3 =	sadd.s32 $0x1800, s5  }
0xa: {  	s4 =	sadd.s32 $0x21800, s8;
	s5 =	sadd.s32 $0x21A00, s8;
	s6 =	smax.u32 s7, $0x1  }
0xb: {  	v0 =	vimm.f32 $0.0e+00;
	s7 =	sor.u32 s9, s31;
	s8 =	simm.s32 $0x1;
	s9 =	simm.s32 $0x8000  }
.LBB2_5:
0xc: {  	[tilespmem:$0x8000] =	vst v8  }
0xd: {  	[tilespmem:$0x8080] =	vst v7  }
0xe: {  	[hbm4b:s4+s2] =	stream.linear.scatter [tilespmem:s9], [sflag:$0x1], $0x80, $0x38;
	[tilespmem:$0x8100] =	vst v63  }
0xf: {  	s11 =	sadd.s32 $0x1, s11;
	_ =	swait.ge [sflag:s8], $0x80  }
0x10: {  	p0 =	sne.s32 s11, s6;
	[sflag:s8] =	ssyncset.done $0x0  }
.Ltmp1:
0x11: {  	[sflag:s8] =	ssyncadd.s32 $0xFFFFFF80;
	(pc) =	sbr.rel @!p0 .LBB2_6-.Ltmp1, $4  }
0x12: {  	[hbm4b:s5+s2] =	stream.linear.scatter [tilespmem:s10], [sflag:$0x1], $0x80, $0x38;
	[tilespmem:$0x8100] =	vst v63  }
0x13: {  	_ =	swait.ge [sflag:s8], $0x80  }
0x14: {  	[sflag:s8] =	ssyncset.done $0x0  }
0x15: {  	[sflag:s8] =	ssyncadd.s32 $0xFFFFFF80  }
.LBB2_1:
.Ltmp2:
0x16: {  	(pc) =	sbr.rel .LBB2_2-.Ltmp2, $4  }
0x17: {  	[tilespmem:s2], [sflag:$0x1] =	stream.linear.gather [hbm4b:s3+s2], $0x8000, $0x38;
	[tilespmem:$0x8100] =	vst v63  }
0x18: {  	_ =	swait.ge [sflag:s8], $0x8000  }
0x19: {  	[sflag:s8] =	ssyncset.done $0x0  }
0x1a: {  	v7 =	vimm.s32 $0x0;
	v9 =	vimm.f32 $+Inf;
	s12 =	simm.s32 $0x40;
	s13 =	simm.s32 $0x0;
	v8 =	vimm.f32 $+Inf;
	[sflag:s8] =	ssyncadd.s32 $0xFFFF8000  }
.LBB2_4:
0x1b: {  	s13 =	sadd.s32 $0x80, s13  }
0x1c: {  	p0 =	sne.s32 s13, $0x8000  }
.Ltmp3:
0x1d: {  	_ = 	snop;
	(pc) =	sbr.rel @!p0 .LBB2_5-.Ltmp3, $2  }
0x1e: {  	_ =	sdelay $0x2  }
0x1f: {  	s12 =	sadd.s32 $0x80, s12  }
.LBB2_2:
0x20: {  	v10 =	vld [tilespmem:s12+$0xFFFFFFD0]  }
0x21: {  	v6 =	vld [tilespmem:s12+$0xFFFFFFE0]  }
0x22: {  	v5 =	vld [tilespmem:s12+$0xFFFFFFF0]  }
0x23: {  	v4 =	vld [tilespmem:s12+$0x0]  }
0x24: {  	v3 =	vld [tilespmem:s12+$0x10]  }
0x25: {  	v2 =	vld [tilespmem:s12+$0x20]  }
0x26: {  	v1 =	vld [tilespmem:s12+$0x30];
	vm0 =	vlt.f32 v10, v9;
	vm1 =	vlt.f32 v6, v9  }
0x27: {  	v11 =	vld [tilespmem:s12+$0xFFFFFFC0];
	vm0 =	vmor vm0, vm1;
	vm1 =	vlt.f32 v5, v9  }
0x28: {  	vm0 =	vmor vm0, vm1;
	vm1 =	vlt.f32 v4, v9  }
0x29: {  	vm0 =	vmor vm0, vm1;
	vm1 =	vlt.f32 v3, v9  }
0x2a: {  	vm0 =	vmor vm0, vm1;
	vm1 =	vlt.f32 v2, v9  }
0x2b: {  	vm2 =	vlt.f32 v1, v9;
	vm1 =	vmor vm0, vm1  }
0x2c: {  	vm0 =	vlt.f32 v11, v9;
	vm1 =	vmor vm1, vm2  }
0x2d: {  	vm1 =	vmor vm0, vm1  }
0x2e: {  	v12 =	vsel vm1, $0x3F800000, v0  }
0x2f: {  	(xrf0) =	vmax.scan.msk.f32 $0xffff, v12;
	_ =	sdelay $0x5  }
0x30: {  	v12, _, _ =	vpop (xrf0)  }
0x31: {  	(v2sf) =	vpush v12, $0xF;
	_ =	sdelay $0xe  }
0x32: {  	s14 =	spop (v2sf)  }
0x33: {  	p0 =	sgt.f32 s14, $0.0e+00  }
.Ltmp4:
0x34: {  	_ = 	snop;
	(pc) =	sbr.rel @!p0 .LBB2_4-.Ltmp4, $1  }
0x35: {  	_ =	sdelay $0x3  }
0x36: {  	v12 =	vsel vm0, $0x3F800000, v0  }
0x37: {  	(xrf0) =	vmax.scan.msk.f32 $0xffff, v12;
	_ =	sdelay $0x5  }
0x38: {  	v12, _, _ =	vpop (xrf0)  }
0x39: {  	(v2sf) =	vpush v12, $0xF;
	_ =	sdelay $0xe  }
0x3a: {  	s14 =	spop (v2sf)  }
0x3b: {  	p1 =	sgt.f32 s14, $0.0e+00;
	_ =	sdelay $0x1  }
0x3c: {  	s14 =	sadd.s32 @p1 s13, s7;
	v12 =	vlaneseq.u32 @p1  }
0x3d: {  	v13 =	vor.u32 @p1 s14, v12  }
0x3e: {  	(xrf1) =	vsort.ascd.msk.f32 @p1 $0xffff, v11, v13;
	_ =	sdelay $0xb  }
0x3f: {  	v11 =	vmul.u32 @p1 $0xFFFFFFFF, v12;
	_ =	sdelay $0x1  }
0x40: {  	v11 =	vadd.s32 @p1 $0xF, v11;
	v12, v13, _ =	vpop @p1 (xrf1)  }
0x41: {  	v12 =	vperm.xlane @p1 v12, v11;
	v11 =	vperm.xlane @p1 v13, v11;
	_ =	sdelay $0x1  }
0x42: {  	vm0 =	veq.f32 @p1 v8, v12;
	vm1 =	vlt.s32 @p1 v7, v11  }
0x43: {  	vm2 =	vlt.f32 @p1 v8, v12;
	vm0 =	vmand @p1 vm0, vm1  }
0x44: {  	vm0 =	vmor @p1 vm2, vm0  }
0x45: {  	v12 =	vsel @p1 vm0, v8, v12;
	v11 =	vsel @p1 vm0, v7, v11  }
0x46: {  	(xrf1) =	vsort.ascd.msk.f32 @p1 $0xffff, v12, v11;
	_ =	sdelay $0xd  }
0x47: {  	v11, v12, _ =	vpop @p1 (xrf1)  }
0x48: {  	v13 =	vbroadcast @p1 v11, $0x4;
	_ =	sdelay $0x1  }
0x49: {  	v9 =	vpsel p1, v13, v9  }
0x4a: {  	vm9 =	vlt.f32 v10, v9  }
0x4b: {  	v62 =	vsel vm9, $0x3F800000, v0  }
0x4c: {  	(xrf0) =	vmax.scan.msk.f32 $0xffff, v62;
	_ =	sdelay $0x5  }
0x4d: {  	v13, _, _ =	vpop (xrf0)  }
0x4e: {  	(v2sf) =	vpush v13, $0xF;
	_ =	sdelay $0xe  }
0x4f: {  	s24 =	spop (v2sf)  }
0x50: {  	p0 =	sgt.f32 s24, $0.0e+00;
	_ =	sdelay $0x1  }
0x51: {  	s14 =	sadd.s32 @p0 s13, s7  }
0x52: {  	v13 =	vlaneseq.u32 @p0;
	s14 =	sadd.s32 @p0 $0x10, s14  }
0x53: {  	v14 =	vor.u32 @p0 s14, v13  }
0x54: {  	(xrf1) =	vsort.ascd.msk.f32 @p0 $0xffff, v10, v14;
	_ =	sdelay $0xb  }
0x55: {  	v10 =	vmul.u32 @p0 $0xFFFFFFFF, v13;
	_ =	sdelay $0x1  }
0x56: {  	v10 =	vadd.s32 @p0 $0xF, v10;
	v13, v14, _ =	vpop @p0 (xrf1)  }
0x57: {  	v13 =	vperm.xlane @p0 v13, v10;
	v10 =	vperm.xlane @p0 v14, v10  }
0x58: {  	v8 =	vpsel p1, v11, v8;
	v7 =	vpsel p1, v12, v7  }
0x59: {  	vm0 =	veq.f32 @p0 v8, v13;
	vm1 =	vlt.s32 @p0 v7, v10  }
0x5a: {  	vm2 =	vlt.f32 @p0 v8, v13;
	vm0 =	vmand @p0 vm0, vm1  }
0x5b: {  	vm0 =	vmor @p0 vm2, vm0  }
0x5c: {  	v11 =	vsel @p0 vm0, v8, v13;
	v10 =	vsel @p0 vm0, v7, v10  }
0x5d: {  	(xrf1) =	vsort.ascd.msk.f32 @p0 $0xffff, v11, v10;
	_ =	sdelay $0xd  }
0x5e: {  	v10, v11, _ =	vpop @p0 (xrf1)  }
0x5f: {  	v12 =	vbroadcast @p0 v10, $0x4;
	_ =	sdelay $0x1  }
0x60: {  	v9 =	vpsel p0, v12, v9  }
0x61: {  	vm10 =	vlt.f32 v6, v9  }
0x62: {  	v63 =	vsel vm10, $0x3F800000, v0  }
0x63: {  	(xrf0) =	vmax.scan.msk.f32 $0xffff, v63;
	_ =	sdelay $0x5  }
0x64: {  	v12, _, _ =	vpop (xrf0)  }
0x65: {  	(v2sf) =	vpush v12, $0xF;
	_ =	sdelay $0xe  }
0x66: {  	s25 =	spop (v2sf)  }
0x67: {  	p1 =	sgt.f32 s25, $0.0e+00;
	_ =	sdelay $0x1  }
0x68: {  	s14 =	sadd.s32 @p1 s13, s7  }
0x69: {  	v12 =	vlaneseq.u32 @p1;
	s14 =	sadd.s32 @p1 $0x20, s14  }
0x6a: {  	v13 =	vor.u32 @p1 s14, v12  }
0x6b: {  	(xrf1) =	vsort.ascd.msk.f32 @p1 $0xffff, v6, v13;
	_ =	sdelay $0xb  }
0x6c: {  	v6 =	vmul.u32 @p1 $0xFFFFFFFF, v12;
	_ =	sdelay $0x1  }
0x6d: {  	v6 =	vadd.s32 @p1 $0xF, v6;
	v12, v13, _ =	vpop @p1 (xrf1)  }
0x6e: {  	v12 =	vperm.xlane @p1 v12, v6;
	v6 =	vperm.xlane @p1 v13, v6  }
0x6f: {  	v8 =	vpsel p0, v10, v8;
	v7 =	vpsel p0, v11, v7  }
0x70: {  	vm0 =	veq.f32 @p1 v8, v12;
	vm1 =	vlt.s32 @p1 v7, v6  }
0x71: {  	vm2 =	vlt.f32 @p1 v8, v12;
	vm0 =	vmand @p1 vm0, vm1  }
0x72: {  	vm0 =	vmor @p1 vm2, vm0  }
0x73: {  	v10 =	vsel @p1 vm0, v8, v12;
	v6 =	vsel @p1 vm0, v7, v6  }
0x74: {  	(xrf1) =	vsort.ascd.msk.f32 @p1 $0xffff, v10, v6;
	_ =	sdelay $0xd  }
0x75: {  	v6, v10, _ =	vpop @p1 (xrf1)  }
0x76: {  	v11 =	vbroadcast @p1 v6, $0x4;
	_ =	sdelay $0x1  }
0x77: {  	v9 =	vpsel p1, v11, v9  }
0x78: {  	vm11 =	vlt.f32 v5, v9  }
0x79: {  	v11 =	vsel vm11, $0x3F800000, v0  }
0x7a: {  	(xrf0) =	vmax.scan.msk.f32 $0xffff, v11;
	_ =	sdelay $0x5  }
0x7b: {  	v11, _, _ =	vpop (xrf0)  }
0x7c: {  	(v2sf) =	vpush v11, $0xF;
	_ =	sdelay $0xe  }
0x7d: {  	s26 =	spop (v2sf)  }
0x7e: {  	p0 =	sgt.f32 s26, $0.0e+00;
	_ =	sdelay $0x1  }
0x7f: {  	s14 =	sadd.s32 @p0 s13, s7  }
0x80: {  	v11 =	vlaneseq.u32 @p0;
	s14 =	sadd.s32 @p0 $0x30, s14  }
0x81: {  	v12 =	vor.u32 @p0 s14, v11  }
0x82: {  	(xrf1) =	vsort.ascd.msk.f32 @p0 $0xffff, v5, v12;
	_ =	sdelay $0xb  }
0x83: {  	v5 =	vmul.u32 @p0 $0xFFFFFFFF, v11;
	_ =	sdelay $0x1  }
0x84: {  	v5 =	vadd.s32 @p0 $0xF, v5;
	v11, v12, _ =	vpop @p0 (xrf1)  }
0x85: {  	v11 =	vperm.xlane @p0 v11, v5;
	v5 =	vperm.xlane @p0 v12, v5  }
0x86: {  	v6 =	vpsel p1, v6, v8;
	v7 =	vpsel p1, v10, v7  }
0x87: {  	vm0 =	veq.f32 @p0 v6, v11;
	vm1 =	vlt.s32 @p0 v7, v5  }
0x88: {  	vm2 =	vlt.f32 @p0 v6, v11;
	vm0 =	vmand @p0 vm0, vm1  }
0x89: {  	vm0 =	vmor @p0 vm2, vm0  }
0x8a: {  	v8 =	vsel @p0 vm0, v6, v11;
	v5 =	vsel @p0 vm0, v7, v5  }
0x8b: {  	(xrf1) =	vsort.ascd.msk.f32 @p0 $0xffff, v8, v5;
	_ =	sdelay $0xd  }
0x8c: {  	v5, v8, _ =	vpop @p0 (xrf1)  }
0x8d: {  	v10 =	vbroadcast @p0 v5, $0x4;
	_ =	sdelay $0x1  }
0x8e: {  	v9 =	vpsel p0, v10, v9  }
0x8f: {  	vm12 =	vlt.f32 v4, v9  }
0x90: {  	v10 =	vsel vm12, $0x3F800000, v0  }
0x91: {  	(xrf0) =	vmax.scan.msk.f32 $0xffff, v10;
	_ =	sdelay $0x5  }
0x92: {  	v10, _, _ =	vpop (xrf0)  }
0x93: {  	(v2sf) =	vpush v10, $0xF;
	_ =	sdelay $0xe  }
0x94: {  	s28 =	spop (v2sf)  }
0x95: {  	p1 =	sgt.f32 s28, $0.0e+00;
	_ =	sdelay $0x1  }
0x96: {  	s14 =	sadd.s32 @p1 s13, s7  }
0x97: {  	v10 =	vlaneseq.u32 @p1;
	s14 =	sadd.s32 @p1 $0x40, s14  }
0x98: {  	v11 =	vor.u32 @p1 s14, v10  }
0x99: {  	(xrf1) =	vsort.ascd.msk.f32 @p1 $0xffff, v4, v11;
	_ =	sdelay $0xb  }
0x9a: {  	v4 =	vmul.u32 @p1 $0xFFFFFFFF, v10;
	_ =	sdelay $0x1  }
0x9b: {  	v4 =	vadd.s32 @p1 $0xF, v4;
	v10, v11, _ =	vpop @p1 (xrf1)  }
0x9c: {  	v10 =	vperm.xlane @p1 v10, v4;
	v4 =	vperm.xlane @p1 v11, v4  }
0x9d: {  	v5 =	vpsel p0, v5, v6;
	v6 =	vpsel p0, v8, v7  }
0x9e: {  	vm0 =	veq.f32 @p1 v5, v10;
	vm1 =	vlt.s32 @p1 v6, v4  }
0x9f: {  	vm2 =	vlt.f32 @p1 v5, v10;
	vm0 =	vmand @p1 vm0, vm1  }
0xa0: {  	vm0 =	vmor @p1 vm2, vm0  }
0xa1: {  	v7 =	vsel @p1 vm0, v5, v10;
	v4 =	vsel @p1 vm0, v6, v4  }
0xa2: {  	(xrf1) =	vsort.ascd.msk.f32 @p1 $0xffff, v7, v4;
	_ =	sdelay $0xd  }
0xa3: {  	v4, v7, _ =	vpop @p1 (xrf1)  }
0xa4: {  	v8 =	vbroadcast @p1 v4, $0x4;
	_ =	sdelay $0x1  }
0xa5: {  	v8 =	vpsel p1, v8, v9  }
0xa6: {  	vm13 =	vlt.f32 v3, v8  }
0xa7: {  	v9 =	vsel vm13, $0x3F800000, v0  }
0xa8: {  	(xrf0) =	vmax.scan.msk.f32 $0xffff, v9;
	_ =	sdelay $0x5  }
0xa9: {  	v9, _, _ =	vpop (xrf0)  }
0xaa: {  	(v2sf) =	vpush v9, $0xF;
	_ =	sdelay $0xe  }
0xab: {  	s29 =	spop (v2sf)  }
0xac: {  	p0 =	sgt.f32 s29, $0.0e+00;
	_ =	sdelay $0x1  }
0xad: {  	s14 =	sadd.s32 @p0 s13, s7  }
0xae: {  	v9 =	vlaneseq.u32 @p0;
	s14 =	sadd.s32 @p0 $0x50, s14  }
0xaf: {  	v10 =	vor.u32 @p0 s14, v9  }
0xb0: {  	(xrf1) =	vsort.ascd.msk.f32 @p0 $0xffff, v3, v10;
	_ =	sdelay $0xb  }
0xb1: {  	v3 =	vmul.u32 @p0 $0xFFFFFFFF, v9;
	_ =	sdelay $0x1  }
0xb2: {  	v3 =	vadd.s32 @p0 $0xF, v3;
	v9, v10, _ =	vpop @p0 (xrf1)  }
0xb3: {  	v9 =	vperm.xlane @p0 v9, v3;
	v3 =	vperm.xlane @p0 v10, v3  }
0xb4: {  	v4 =	vpsel p1, v4, v5;
	v5 =	vpsel p1, v7, v6  }
0xb5: {  	vm0 =	veq.f32 @p0 v4, v9;
	vm1 =	vlt.s32 @p0 v5, v3  }
0xb6: {  	vm2 =	vlt.f32 @p0 v4, v9;
	vm0 =	vmand @p0 vm0, vm1  }
0xb7: {  	vm0 =	vmor @p0 vm2, vm0  }
0xb8: {  	v6 =	vsel @p0 vm0, v4, v9;
	v3 =	vsel @p0 vm0, v5, v3  }
0xb9: {  	(xrf1) =	vsort.ascd.msk.f32 @p0 $0xffff, v6, v3;
	_ =	sdelay $0xd  }
0xba: {  	v3, v6, _ =	vpop @p0 (xrf1)  }
0xbb: {  	v7 =	vbroadcast @p0 v3, $0x4;
	_ =	sdelay $0x1  }
0xbc: {  	v7 =	vpsel p0, v7, v8  }
0xbd: {  	vm14 =	vlt.f32 v2, v7  }
0xbe: {  	v8 =	vsel vm14, $0x3F800000, v0  }
0xbf: {  	(xrf0) =	vmax.scan.msk.f32 $0xffff, v8;
	_ =	sdelay $0x5  }
0xc0: {  	v8, _, _ =	vpop (xrf0)  }
0xc1: {  	(v2sf) =	vpush v8, $0xF;
	_ =	sdelay $0xe  }
0xc2: {  	s30 =	spop (v2sf)  }
0xc3: {  	p1 =	sgt.f32 s30, $0.0e+00;
	_ =	sdelay $0x1  }
0xc4: {  	s14 =	sadd.s32 @p1 s13, s7  }
0xc5: {  	v8 =	vlaneseq.u32 @p1;
	s14 =	sadd.s32 @p1 $0x60, s14  }
0xc6: {  	v9 =	vor.u32 @p1 s14, v8  }
0xc7: {  	(xrf1) =	vsort.ascd.msk.f32 @p1 $0xffff, v2, v9;
	_ =	sdelay $0xb  }
0xc8: {  	v2 =	vmul.u32 @p1 $0xFFFFFFFF, v8;
	_ =	sdelay $0x1  }
0xc9: {  	v2 =	vadd.s32 @p1 $0xF, v2;
	v8, v9, _ =	vpop @p1 (xrf1)  }
0xca: {  	v8 =	vperm.xlane @p1 v8, v2;
	v2 =	vperm.xlane @p1 v9, v2  }
0xcb: {  	v3 =	vpsel p0, v3, v4;
	v4 =	vpsel p0, v6, v5  }
0xcc: {  	vm0 =	veq.f32 @p1 v3, v8;
	vm1 =	vlt.s32 @p1 v4, v2  }
0xcd: {  	vm2 =	vlt.f32 @p1 v3, v8;
	vm0 =	vmand @p1 vm0, vm1  }
0xce: {  	vm0 =	vmor @p1 vm2, vm0  }
0xcf: {  	v5 =	vsel @p1 vm0, v3, v8;
	v2 =	vsel @p1 vm0, v4, v2  }
0xd0: {  	(xrf1) =	vsort.ascd.msk.f32 @p1 $0xffff, v5, v2;
	_ =	sdelay $0xd  }
0xd1: {  	v2, v5, _ =	vpop @p1 (xrf1)  }
0xd2: {  	v6 =	vbroadcast @p1 v2, $0x4;
	_ =	sdelay $0x1  }
0xd3: {  	v6 =	vpsel p1, v6, v7  }
0xd4: {  	vm15 =	vlt.f32 v1, v6  }
0xd5: {  	v7 =	vsel vm15, $0x3F800000, v0  }
0xd6: {  	(xrf0) =	vmax.scan.msk.f32 $0xffff, v7;
	_ =	sdelay $0x5  }
0xd7: {  	v7, _, _ =	vpop (xrf0)  }
0xd8: {  	(v2sf) =	vpush v7, $0xF;
	_ =	sdelay $0xe  }
0xd9: {  	s31 =	spop (v2sf)  }
0xda: {  	p0 =	sgt.f32 s31, $0.0e+00;
	_ =	sdelay $0x1  }
0xdb: {  	s14 =	sadd.s32 @p0 s13, s7  }
0xdc: {  	v7 =	vlaneseq.u32 @p0;
	s14 =	sadd.s32 @p0 $0x70, s14  }
0xdd: {  	v8 =	vor.u32 @p0 s14, v7  }
0xde: {  	(xrf1) =	vsort.ascd.msk.f32 @p0 $0xffff, v1, v8;
	_ =	sdelay $0xb  }
0xdf: {  	v1 =	vmul.u32 @p0 $0xFFFFFFFF, v7;
	_ =	sdelay $0x1  }
0xe0: {  	v1 =	vadd.s32 @p0 $0xF, v1;
	v7, v8, _ =	vpop @p0 (xrf1)  }
0xe1: {  	v7 =	vperm.xlane @p0 v7, v1;
	v1 =	vperm.xlane @p0 v8, v1  }
0xe2: {  	v2 =	vpsel p1, v2, v3;
	v3 =	vpsel p1, v5, v4  }
0xe3: {  	vm0 =	veq.f32 @p0 v2, v7;
	vm1 =	vlt.s32 @p0 v3, v1  }
0xe4: {  	vm2 =	vlt.f32 @p0 v2, v7;
	vm0 =	vmand @p0 vm0, vm1  }
0xe5: {  	vm0 =	vmor @p0 vm2, vm0  }
0xe6: {  	v4 =	vsel @p0 vm0, v2, v7;
	v1 =	vsel @p0 vm0, v3, v1  }
0xe7: {  	(xrf1) =	vsort.ascd.msk.f32 @p0 $0xffff, v4, v1;
	_ =	sdelay $0xc  }
.Ltmp5:
0xe8: {  	_ = 	snop;
	(pc) =	sbr.rel .LBB2_4-.Ltmp5, $3  }
0xe9: {  	v1, v4, _ =	vpop @p0 (xrf1)  }
0xea: {  	v5 =	vbroadcast @p0 v1, $0x4;
	_ =	sdelay $0x1  }
0xeb: {  	v8 =	vpsel p0, v1, v2;
	v7 =	vpsel p0, v4, v3;
	v9 =	vpsel p0, v5, v6  }
.LBB2_6:
0xec: {  	_ =	sfence.sel $0x180000  }
0xed: {  	[bflag:$0x0] =	sbarrier.arrive $0xFFFF  }
0xee: {  	p0 =	sne.s32 s1, $0x0;
	_ =	strace $0x90000047  }
0xef: {  	s0 =	sadd.s32 @!p0 $0x100000, s0;
	[bflag:$0x2] =	sbarrier.arrive $0xFFFF  }
0xf0: {  	[sflag:s0] =	ssyncadd.tile.s32 @!p0 $0x1;
	_ =	shalt  }
.Lfunc_end2:
_tile_overlayer_lowered:
.L_overlay_start_2:
0xf1: {  	(tag) =	ssettag $0x2  }
0xf2: {  	s0 =	rddreg [dreg:$0x0];
	s2 =	stileid.u32  }
0xf3: {  	s1 =	rddreg [dreg:$0x1];
	p0 =	sne.s32 s2, $0x0  }
0xf4: {  	s3 =	rddreg [dreg:$0x2];
	[bflag:$0x3] =	sbarrier.arrive $0xFFFF;
	s2 =	simm.s32 @!p0 $0x1C01  }
0xf5: {  	[timem:s3], [sflag:s2] =	dma.local @!p0 [hbm:s0], s1  }
0xf6: {  	s0 =	simm.s32 @!p0 $0x1  }
0xf7: {  	_ =	swait.ge @!p0 [sflag:s0], s1  }
0xf8: {  	s1 =	ssub.s32 @!p0 $0x0, s1;
	[sflag:s0] =	ssyncset.done @!p0 $0x0  }
0xf9: {  	[sflag:s0] =	ssyncadd.s32 @!p0 s1  }
0xfa: {  	[bflag:$0x3] =	sbarrier.arrive $0xFFFF  }
0xfb: {  	_ =	shalt  }

</sc_bundles>
